<compile_context>
chip_gen: v7x
topology: tpu7x:2x2x1
jax: 0.10.2.dev20260603
libtpu: 0.0.44.dev20260713+nightly
codegen_flags: <defaults>
</compile_context>

<pallas_src>
import functools

import jax
import jax.numpy as jnp
import numpy as np
from jax import lax
from jax.experimental import pallas as pl
from jax.experimental.pallas import tpu as pltpu
from jax.experimental.pallas import tpu_sc as plsc

B = 16384
N_CONT = 13
N_CAT = 26
V = 100001
D = 16
EPS = 1e-5

V_PAD = 100352
PLANE = D * V_PAD

NC = 2
NS = 16
NW = NC * NS
ROWS_PER_W = B // NW
BCHUNK = 512
N_BCHUNK = ROWS_PER_W // BCHUNK

CB = 2048


def _tc_repack(tab_t):

    def body(t_ref, o_ref):
        o_ref[...] = t_ref[0].reshape(PLANE)

    return pl.pallas_call(
        body,
        grid=(N_CAT,),
        in_specs=[pl.BlockSpec((1, D, V_PAD), lambda i: (i, 0, 0))],
        out_specs=pl.BlockSpec((PLANE,), lambda i: (i,)),
        out_shape=jax.ShapeDtypeStruct((N_CAT * PLANE,), jnp.float32),
        compiler_params=pltpu.CompilerParams(
            dimension_semantics=("arbitrary",),
        ),
    )(tab_t)


def _sc_gather(cat_t, tab_lin):
    mesh = plsc.VectorSubcoreMesh(
        core_axis_name="c", subcore_axis_name="s", num_cores=NC, num_subcores=NS
    )

    @functools.partial(
        pl.kernel,
        out_type=jax.ShapeDtypeStruct((N_CONT + N_CAT, D, B), jnp.float32),
        name="sc_embedding_gather",
        mesh=mesh,
        scratch_types=[
            pltpu.VMEM((2, BCHUNK), jnp.int32),
            pltpu.VMEM((2, D, BCHUNK), jnp.float32),
            pltpu.SemaphoreType.DMA,
            pltpu.SemaphoreType.DMA,
            pltpu.SemaphoreType.DMA,
            pltpu.SemaphoreType.DMA,
        ],
        compiler_params=pltpu.CompilerParams(use_tc_tiling_on_sc=False),
    )
    def body(cat_hbm, tab_hbm, out_hbm, idx_v, val_v, sem_i, sem_g0, sem_g1, sem_o):
        wid = lax.axis_index("s") * NC + lax.axis_index("c")
        base = wid * ROWS_PER_W

        def fire(t, par):
            def one(d, carry):
                off = pl.multiple_of((t * D + d) * V_PAD, 128)
                sem = [sem_g0, sem_g1][par]
                pltpu.async_copy(
                    tab_hbm.at[pl.ds(off, V_PAD)].at[idx_v.at[par]],
                    val_v.at[par, d],
                    sem,
                )
                return carry

            lax.fori_loop(0, D, one, 0)

        def drain_val(par):
            sem = [sem_g0, sem_g1][par]
            pltpu.make_async_copy(
                out_hbm.at[0, :, pl.ds(0, BCHUNK)], val_v.at[par], sem
            ).wait()

        def drain_out():
            pltpu.make_async_copy(
                val_v.at[0], out_hbm.at[0, :, pl.ds(0, BCHUNK)], sem_o
            ).wait()

        pltpu.sync_copy(cat_hbm.at[0, pl.ds(base, BCHUNK)], idx_v.at[0])
        fire(0, 0)

        def step(t, carry):
            par = lax.rem(t, 2)
            nxt = 1 - par

            @pl.when(t + 1 < N_CAT)
            def _():
                pltpu.async_copy(
                    cat_hbm.at[t + 1, pl.ds(base, BCHUNK)], idx_v.at[nxt], sem_i
                ).wait()

                @pl.when(t >= 1)
                def _():
                    drain_out()

                @pl.when(nxt == 0)
                def _():
                    fire(t + 1, 0)

                @pl.when(nxt == 1)
                def _():
                    fire(t + 1, 1)

            @pl.when(par == 0)
            def _():
                drain_val(0)
                pltpu.async_copy(
                    val_v.at[0], out_hbm.at[N_CONT + t, :, pl.ds(base, BCHUNK)],
                    sem_o,
                )

            @pl.when(par == 1)
            def _():
                drain_val(1)
                pltpu.async_copy(
                    val_v.at[1], out_hbm.at[N_CONT + t, :, pl.ds(base, BCHUNK)],
                    sem_o,
                )

            return carry

        lax.fori_loop(0, N_CAT, step, 0)
        drain_out()
        drain_out()

    return body(cat_t, tab_lin)


def _tc_cont(x_t, gamma, beta, w_t, b_t, scout):

    def body(x_ref, xc_ref, g_ref, be_ref, w_ref, bb_ref, sc_ref, o_ref):
        xv = x_ref[...]
        mean = jnp.mean(xv, axis=1, keepdims=True)
        var = jnp.mean(xv * xv, axis=1, keepdims=True) - mean * mean
        inv = lax.rsqrt(var + EPS) * g_ref[...]
        xc = (xc_ref[...] - mean) * inv + be_ref[...]
        o_ref[...] = (
            w_ref[...] * xc[:, None, :] + bb_ref[...]
        )

    grid = B // CB
    return pl.pallas_call(
        body,
        grid=(grid,),
        in_specs=[
            pl.BlockSpec((N_CONT, B), lambda i: (0, 0)),
            pl.BlockSpec((N_CONT, CB), lambda i: (0, i)),
            pl.BlockSpec((N_CONT, 1), lambda i: (0, 0)),
            pl.BlockSpec((N_CONT, 1), lambda i: (0, 0)),
            pl.BlockSpec((N_CONT, D, 1), lambda i: (0, 0, 0)),
            pl.BlockSpec((N_CONT, D, 1), lambda i: (0, 0, 0)),
            pl.BlockSpec(memory_space=pl.ANY),
        ],
        out_specs=pl.BlockSpec((N_CONT, D, CB), lambda i: (0, 0, i)),
        out_shape=jax.ShapeDtypeStruct((N_CONT + N_CAT, D, B), jnp.float32),
        input_output_aliases={6: 0},
        compiler_params=pltpu.CompilerParams(
            dimension_semantics=("arbitrary",),
        ),
    )(x_t, x_t, gamma, beta, w_t, b_t, scout)


def kernel(x, categorical, cont_embed_weight, cont_embed_bias, bn_gamma, bn_beta, cat_tables):
    tab_t = cat_tables.transpose(0, 2, 1)
    cat_t = categorical.T
    x_t = x.T
    gamma = bn_gamma.reshape(N_CONT, 1)
    beta = bn_beta.reshape(N_CONT, 1)
    w_t = cont_embed_weight.reshape(N_CONT, D, 1)
    b_t = cont_embed_bias.reshape(N_CONT, D, 1)

    tab_lin = _tc_repack(tab_t)

    scout = _sc_gather(cat_t, tab_lin)

    out_t = _tc_cont(x_t, gamma, beta, w_t, b_t, scout)
    return out_t.transpose(2, 0, 1)

# --- scband reference (transcript-rebuilt; emitter-appended) ---
"""Pipeline reference for scband-embedding-58686433132854 (READ-ONLY COPY).

The authoritative reference and input builder live on the scoring server;
editing this copy changes nothing except your own understanding.
"""

import jax, jax.numpy as jnp
import numpy as np

B = 16384
N_CONT = 13
N_CAT = 26
V = 100001  # num_unique + 1
D = 16
EPS = 1e-5


def setup_inputs(seed: int = 0) -> dict:
    key = jax.random.key(seed)
    ks = jax.random.split(key, 6)
    std = 1.0 / np.sqrt(D)
    return {
        "x": jax.random.normal(ks[0], (B, N_CONT), dtype=jnp.float32),
        "categorical": jax.random.randint(ks[1], (B, N_CAT), 0, 100000, dtype=jnp.int32),
        "cont_embed_weight": (jax.random.normal(ks[2], (N_CONT, D), dtype=jnp.float32) * std),
        "cont_embed_bias": (jax.random.normal(ks[3], (N_CONT, D), dtype=jnp.float32) * std),
        "bn_gamma": jnp.ones((N_CONT,), dtype=jnp.float32),
        "bn_beta": jnp.zeros((N_CONT,), dtype=jnp.float32),
        "cat_tables": (jax.random.normal(ks[4], (N_CAT, V, D), dtype=jnp.float32) * std),
    }


def reference(x, categorical, cont_embed_weight, cont_embed_bias, bn_gamma, bn_beta, cat_tables):
    # BatchNorm1d (training-mode batch statistics, biased variance as in PyTorch)
    mean = jnp.mean(x, axis=0)
    var = jnp.var(x, axis=0)
    x_norm = (x - mean) / jnp.sqrt(var + EPS) * bn_gamma + bn_beta
    # continuous feature embedding: [B, N_CONT, D]
    x_cont = cont_embed_weight[None, :, :] * x_norm[:, :, None] + cont_embed_bias[None, :, :]
    # dropout p=0.0 -> identity
    # categorical embedding lookup per field: tables [N_CAT, V, D], idx [B, N_CAT] -> [B, N_CAT, D]
    gather = jax.vmap(lambda table, idx: jnp.take(table, idx, axis=0), in_axes=(0, 1), out_axes=1)
    x_cat = gather(cat_tables, categorical)
    # concat along the field axis -> [B, N_CONT + N_CAT, D]
    return jnp.concatenate([x_cont, x_cat], axis=1)

if __name__ == "__main__":
    import jax
    _d = setup_inputs()
    print(jax.jit(kernel)(*tuple(_d.values())))

</pallas_src>

<mosaic_0001>
#map = affine_map<(d0, d1) -> (0, 0)>
#map1 = affine_map<(d0, d1) -> (0)>
#map2 = affine_map<(d0, d1) -> (0, 0, 0)>
module attributes {stable_mosaic.version = 14 : i64} {
  func.func @sc_embedding_gather(%arg0: i32, %arg1: i32, %arg2: memref<26x16384xi32, #tpu.memory_space<hbm>>, %arg3: memref<41746432xf32, #tpu.memory_space<hbm>>, %arg4: memref<39x16x16384xf32, #tpu.memory_space<hbm>>, %arg5: memref<2x512xi32, #tpu.memory_space<vmem>>, %arg6: memref<2x16x512xf32, #tpu.memory_space<vmem>>, %arg7: memref<!tpu.dma_semaphore, #tpu.memory_space<semaphore_mem>>, %arg8: memref<!tpu.dma_semaphore, #tpu.memory_space<semaphore_mem>>, %arg9: memref<!tpu.dma_semaphore, #tpu.memory_space<semaphore_mem>>, %arg10: memref<!tpu.dma_semaphore, #tpu.memory_space<semaphore_mem>>) attributes {dimension_semantics = [#tpu.dimension_semantics<core_parallel>, #tpu.dimension_semantics<subcore_parallel>], iteration_bounds = array<i64: 2, 16>, scalar_prefetch = 0 : i64, scratch_operands = 6 : i64, tpu.core_type = #tpu.core_type<sc_vector_subcore>, window_params = [{transform_indices = #map}, {transform_indices = #map1}, {transform_indices = #map2}]} {
    %mul3A = arith.constant 2 : i32
    %mul3A_0 = arith.muli %arg1, %mul3A : i32
    %add3A = arith.addi %mul3A_0, %arg0 : i32
    %mul3A_1 = arith.constant 512 : i32
    %mul3A_2 = arith.muli %add3A, %mul3A_1 : i32
    %run_scoped3A = arith.constant 0 : i32
    %run_scoped3A_3 = arith.constant 0 : i32
    "tpu.region"() ({
      %run_scoped3A_50 = tpu.sem_alloc : memref<!tpu.dma_semaphore, #tpu.memory_space<semaphore_mem>>
      %dma_start3A = arith.constant 0 : i32
      %dma_start3A_51 = tpu.memref_slice %arg5[%run_scoped3A_3, %dma_start3A] : memref<2x512xi32, #tpu.memory_space<vmem>> -> memref<1x512xi32, #tpu.memory_space<vmem>>
      %dma_start3A_52 = tpu.memref_squeeze %dma_start3A_51 : memref<1x512xi32, #tpu.memory_space<vmem>> -> memref<512xi32, #tpu.memory_space<vmem>>
      %dma_start3A_53 = tpu.memref_slice %arg2[%run_scoped3A, %mul3A_2] : memref<26x16384xi32, #tpu.memory_space<hbm>> -> memref<1x512xi32, #tpu.memory_space<hbm>>
      %dma_start3A_54 = tpu.memref_squeeze %dma_start3A_53 : memref<1x512xi32, #tpu.memory_space<hbm>> -> memref<512xi32, #tpu.memory_space<hbm>>
      %dma_start3A_55 = arith.constant 0 : i32
      %dma_start3A_56 = tpu.memref_slice %arg5[%run_scoped3A_3, %dma_start3A_55] : memref<2x512xi32, #tpu.memory_space<vmem>> -> memref<1x512xi32, #tpu.memory_space<vmem>>
      %dma_start3A_57 = tpu.memref_squeeze %dma_start3A_56 : memref<1x512xi32, #tpu.memory_space<vmem>> -> memref<512xi32, #tpu.memory_space<vmem>>
      %dma_start3A_58 = tpu.memref_slice %arg2[%run_scoped3A, %mul3A_2] : memref<26x16384xi32, #tpu.memory_space<hbm>> -> memref<1x512xi32, #tpu.memory_space<hbm>>
      %dma_start3A_59 = tpu.memref_squeeze %dma_start3A_58 : memref<1x512xi32, #tpu.memory_space<hbm>> -> memref<512xi32, #tpu.memory_space<hbm>>
      tpu.enqueue_dma source(%dma_start3A_59 : memref<512xi32, #tpu.memory_space<hbm>>) target(%dma_start3A_57 : memref<512xi32, #tpu.memory_space<vmem>>) target_semaphore(%run_scoped3A_50 : memref<!tpu.dma_semaphore, #tpu.memory_space<semaphore_mem>>)
      %dma_wait3A_60 = arith.constant 0 : i32
      %dma_wait3A_61 = tpu.memref_slice %arg5[%run_scoped3A_3, %dma_wait3A_60] : memref<2x512xi32, #tpu.memory_space<vmem>> -> memref<1x512xi32, #tpu.memory_space<vmem>>
      %dma_wait3A_62 = tpu.memref_squeeze %dma_wait3A_61 : memref<1x512xi32, #tpu.memory_space<vmem>> -> memref<512xi32, #tpu.memory_space<vmem>>
      %dma_wait3A_63 = tpu.memref_slice %arg2[%run_scoped3A, %mul3A_2] : memref<26x16384xi32, #tpu.memory_space<hbm>> -> memref<1x512xi32, #tpu.memory_space<hbm>>
      %dma_wait3A_64 = tpu.memref_squeeze %dma_wait3A_63 : memref<1x512xi32, #tpu.memory_space<hbm>> -> memref<512xi32, #tpu.memory_space<hbm>>
      %dma_wait3A_65 = arith.constant 0 : i32
      %dma_wait3A_66 = tpu.memref_slice %arg5[%run_scoped3A_3, %dma_wait3A_65] : memref<2x512xi32, #tpu.memory_space<vmem>> -> memref<1x512xi32, #tpu.memory_space<vmem>>
      %dma_wait3A_67 = tpu.memref_squeeze %dma_wait3A_66 : memref<1x512xi32, #tpu.memory_space<vmem>> -> memref<512xi32, #tpu.memory_space<vmem>>
      %dma_wait3A_68 = tpu.memref_slice %arg2[%run_scoped3A, %mul3A_2] : memref<26x16384xi32, #tpu.memory_space<hbm>> -> memref<1x512xi32, #tpu.memory_space<hbm>>
      %dma_wait3A_69 = tpu.memref_squeeze %dma_wait3A_68 : memref<1x512xi32, #tpu.memory_space<hbm>> -> memref<512xi32, #tpu.memory_space<hbm>>
      tpu.wait_dma2 semaphore(%run_scoped3A_50 : memref<!tpu.dma_semaphore, #tpu.memory_space<semaphore_mem>>) src(%dma_wait3A_69 : memref<512xi32, #tpu.memory_space<hbm>>) dst(%dma_wait3A_67 : memref<512xi32, #tpu.memory_space<vmem>>)
      tpu.yield
    }) : () -> ()
    %scan3A = arith.constant 0 : i32
    %scan3A_4 = arith.constant 0 : i32
    %scan3A_5 = arith.constant 16 : i32
    %scan3A_6 = arith.addi %scan3A_4, %scan3A_5 : i32
    %scan3A_7 = arith.constant 1 : i32
    scf.for %scan3A_50 = %scan3A_4 to %scan3A_6 step %scan3A_7  : i32 {
      %add3A_51 = arith.constant 0 : i32
      %add3A_52 = arith.addi %add3A_51, %scan3A_50 : i32
      %mul3A_53 = arith.constant 100352 : i32
      %mul3A_54 = arith.muli %add3A_52, %mul3A_53 : i32
      %multiple_of3A = tpu.assume_multiple %mul3A_54, 128 : i32
      %dma_start3A = arith.constant 0 : i32
      %dma_start3A_55 = arith.constant 0 : i32
      %dma_start3A_56 = arith.constant 0 : i32
      %dma_start3A_57 = tpu.memref_slice %arg6[%dma_start3A_55, %scan3A_50, %dma_start3A_56] : memref<2x16x512xf32, #tpu.memory_space<vmem>> -> memref<1x1x512xf32, #tpu.memory_space<vmem>>
      %dma_start3A_58 = tpu.memref_squeeze %dma_start3A_57 : memref<1x1x512xf32, #tpu.memory_space<vmem>> -> memref<512xf32, #tpu.memory_space<vmem>>
      %dma_start3A_59 = arith.constant 0 : i32
      %dma_start3A_60 = tpu.memref_slice %arg5[%dma_start3A, %dma_start3A_59] : memref<2x512xi32, #tpu.memory_space<vmem>> -> memref<1x512xi32, #tpu.memory_space<vmem>>
      %dma_start3A_61 = tpu.memref_squeeze %dma_start3A_60 : memref<1x512xi32, #tpu.memory_space<vmem>> -> memref<512xi32, #tpu.memory_space<vmem>>
      %dma_start3A_62 = tpu.memref_slice %arg3[%multiple_of3A] : memref<41746432xf32, #tpu.memory_space<hbm>> -> memref<100352xf32, #tpu.memory_space<hbm>>
      %dma_start3A_63 = arith.constant 0 : i32
      %dma_start3A_64 = tpu.memref_slice %dma_start3A_62[%dma_start3A_63] : memref<100352xf32, #tpu.memory_space<hbm>> -> memref<100352xf32, #tpu.memory_space<hbm>>
      tpu.enqueue_indirect_dma source(%dma_start3A_64 : memref<100352xf32, #tpu.memory_space<hbm>>) target(%dma_start3A_58 : memref<512xf32, #tpu.memory_space<vmem>>) offsets(%dma_start3A_61 : memref<512xi32, #tpu.memory_space<vmem>>) semaphore(%arg8 : memref<!tpu.dma_semaphore, #tpu.memory_space<semaphore_mem>>)
    }
    %scan3A_8 = arith.constant 16 : i32
    %scan3A_9 = arith.constant 0 : i32
    %scan3A_10 = arith.constant 0 : i32
    %scan3A_11 = arith.constant 26 : i32
    %scan3A_12 = arith.addi %scan3A_10, %scan3A_11 : i32
    %scan3A_13 = arith.constant 1 : i32
    scf.for %scan3A_50 = %scan3A_10 to %scan3A_12 step %scan3A_13  : i32 {
      %rem3A = arith.constant 2 : i32
      %rem3A_51 = arith.remsi %scan3A_50, %rem3A : i32
      %sub3A = arith.constant 1 : i32
      %sub3A_52 = arith.subi %sub3A, %rem3A_51 : i32
      %add3A_53 = arith.constant 1 : i32
      %add3A_54 = arith.addi %scan3A_50, %add3A_53 : i32
      %lt3A = arith.constant 26 : i32
      %lt3A_55 = arith.cmpi slt, %add3A_54, %lt3A : i32
      %convert_element_type3A = arith.extui %lt3A_55 : i1 to i32
      %cond3A = arith.constant 0 : i32
      %cond3A_56 = arith.cmpi ne, %convert_element_type3A, %cond3A : i32
      scf.if %cond3A_56 {
        %add3A_66 = arith.constant 1 : i32
        %add3A_67 = arith.addi %scan3A_50, %add3A_66 : i32
        %dma_start3A = arith.constant 0 : i32
        %dma_start3A_68 = tpu.memref_slice %arg5[%sub3A_52, %dma_start3A] : memref<2x512xi32, #tpu.memory_space<vmem>> -> memref<1x512xi32, #tpu.memory_space<vmem>>
        %dma_start3A_69 = tpu.memref_squeeze %dma_start3A_68 : memref<1x512xi32, #tpu.memory_space<vmem>> -> memref<512xi32, #tpu.memory_space<vmem>>
        %dma_start3A_70 = tpu.memref_slice %arg2[%add3A_67, %mul3A_2] : memref<26x16384xi32, #tpu.memory_space<hbm>> -> memref<1x512xi32, #tpu.memory_space<hbm>>
        %dma_start3A_71 = tpu.memref_squeeze %dma_start3A_70 : memref<1x512xi32, #tpu.memory_space<hbm>> -> memref<512xi32, #tpu.memory_space<hbm>>
        %dma_start3A_72 = arith.constant 0 : i32
        %dma_start3A_73 = tpu.memref_slice %arg5[%sub3A_52, %dma_start3A_72] : memref<2x512xi32, #tpu.memory_space<vmem>> -> memref<1x512xi32, #tpu.memory_space<vmem>>
        %dma_start3A_74 = tpu.memref_squeeze %dma_start3A_73 : memref<1x512xi32, #tpu.memory_space<vmem>> -> memref<512xi32, #tpu.memory_space<vmem>>
        %dma_start3A_75 = tpu.memref_slice %arg2[%add3A_67, %mul3A_2] : memref<26x16384xi32, #tpu.memory_space<hbm>> -> memref<1x512xi32, #tpu.memory_space<hbm>>
        %dma_start3A_76 = tpu.memref_squeeze %dma_start3A_75 : memref<1x512xi32, #tpu.memory_space<hbm>> -> memref<512xi32, #tpu.memory_space<hbm>>
        tpu.enqueue_dma source(%dma_start3A_76 : memref<512xi32, #tpu.memory_space<hbm>>) target(%dma_start3A_74 : memref<512xi32, #tpu.memory_space<vmem>>) target_semaphore(%arg7 : memref<!tpu.dma_semaphore, #tpu.memory_space<semaphore_mem>>)
        %dma_wait3A_77 = arith.constant 0 : i32
        %dma_wait3A_78 = tpu.memref_slice %arg5[%sub3A_52, %dma_wait3A_77] : memref<2x512xi32, #tpu.memory_space<vmem>> -> memref<1x512xi32, #tpu.memory_space<vmem>>
        %dma_wait3A_79 = tpu.memref_squeeze %dma_wait3A_78 : memref<1x512xi32, #tpu.memory_space<vmem>> -> memref<512xi32, #tpu.memory_space<vmem>>
        %dma_wait3A_80 = tpu.memref_slice %arg2[%add3A_67, %mul3A_2] : memref<26x16384xi32, #tpu.memory_space<hbm>> -> memref<1x512xi32, #tpu.memory_space<hbm>>
        %dma_wait3A_81 = tpu.memref_squeeze %dma_wait3A_80 : memref<1x512xi32, #tpu.memory_space<hbm>> -> memref<512xi32, #tpu.memory_space<hbm>>
        %dma_wait3A_82 = arith.constant 0 : i32
        %dma_wait3A_83 = tpu.memref_slice %arg5[%sub3A_52, %dma_wait3A_82] : memref<2x512xi32, #tpu.memory_space<vmem>> -> memref<1x512xi32, #tpu.memory_space<vmem>>
        %dma_wait3A_84 = tpu.memref_squeeze %dma_wait3A_83 : memref<1x512xi32, #tpu.memory_space<vmem>> -> memref<512xi32, #tpu.memory_space<vmem>>
        %dma_wait3A_85 = tpu.memref_slice %arg2[%add3A_67, %mul3A_2] : memref<26x16384xi32, #tpu.memory_space<hbm>> -> memref<1x512xi32, #tpu.memory_space<hbm>>
        %dma_wait3A_86 = tpu.memref_squeeze %dma_wait3A_85 : memref<1x512xi32, #tpu.memory_space<hbm>> -> memref<512xi32, #tpu.memory_space<hbm>>
        tpu.wait_dma2 semaphore(%arg7 : memref<!tpu.dma_semaphore, #tpu.memory_space<semaphore_mem>>) src(%dma_wait3A_86 : memref<512xi32, #tpu.memory_space<hbm>>) dst(%dma_wait3A_84 : memref<512xi32, #tpu.memory_space<vmem>>)
        %ge3A = arith.constant 1 : i32
        %ge3A_87 = arith.cmpi sge, %scan3A_50, %ge3A : i32
        %convert_element_type3A_88 = arith.extui %ge3A_87 : i1 to i32
        %cond3A_89 = arith.constant 0 : i32
        %cond3A_90 = arith.cmpi ne, %convert_element_type3A_88, %cond3A_89 : i32
        scf.if %cond3A_90 {
          %dma_wait3A_101 = arith.constant 0 : i32
          %dma_wait3A_102 = arith.constant 0 : i32
          %dma_wait3A_103 = arith.constant 0 : i32
          %dma_wait3A_104 = arith.constant 0 : i32
          %dma_wait3A_105 = tpu.memref_slice %arg6[%dma_wait3A_101, %dma_wait3A_103, %dma_wait3A_104] : memref<2x16x512xf32, #tpu.memory_space<vmem>> -> memref<1x16x512xf32, #tpu.memory_space<vmem>>
          %dma_wait3A_106 = tpu.memref_squeeze %dma_wait3A_105 : memref<1x16x512xf32, #tpu.memory_space<vmem>> -> memref<16x512xf32, #tpu.memory_space<vmem>>
          %dma_wait3A_107 = arith.constant 0 : i32
          %dma_wait3A_108 = arith.constant 0 : i32
          %dma_wait3A_109 = tpu.memref_slice %arg4[%dma_wait3A_102, %dma_wait3A_107, %dma_wait3A_108] : memref<39x16x16384xf32, #tpu.memory_space<hbm>> -> memref<1x16x512xf32, #tpu.memory_space<hbm>>
          %dma_wait3A_110 = tpu.memref_squeeze %dma_wait3A_109 : memref<1x16x512xf32, #tpu.memory_space<hbm>> -> memref<16x512xf32, #tpu.memory_space<hbm>>
          %dma_wait3A_111 = arith.constant 0 : i32
          %dma_wait3A_112 = arith.constant 0 : i32
          %dma_wait3A_113 = tpu.memref_slice %arg4[%dma_wait3A_102, %dma_wait3A_111, %dma_wait3A_112] : memref<39x16x16384xf32, #tpu.memory_space<hbm>> -> memref<1x16x512xf32, #tpu.memory_space<hbm>>
          %dma_wait3A_114 = tpu.memref_squeeze %dma_wait3A_113 : memref<1x16x512xf32, #tpu.memory_space<hbm>> -> memref<16x512xf32, #tpu.memory_space<hbm>>
          %dma_wait3A_115 = arith.constant 0 : i32
          %dma_wait3A_116 = arith.constant 0 : i32
          %dma_wait3A_117 = tpu.memref_slice %arg6[%dma_wait3A_101, %dma_wait3A_115, %dma_wait3A_116] : memref<2x16x512xf32, #tpu.memory_space<vmem>> -> memref<1x16x512xf32, #tpu.memory_space<vmem>>
          %dma_wait3A_118 = tpu.memref_squeeze %dma_wait3A_117 : memref<1x16x512xf32, #tpu.memory_space<vmem>> -> memref<16x512xf32, #tpu.memory_space<vmem>>
          tpu.wait_dma2 semaphore(%arg10 : memref<!tpu.dma_semaphore, #tpu.memory_space<semaphore_mem>>) src(%dma_wait3A_118 : memref<16x512xf32, #tpu.memory_space<vmem>>) dst(%dma_wait3A_114 : memref<16x512xf32, #tpu.memory_space<hbm>>)
        } else {
        }
        %eq3A_91 = arith.constant 0 : i32
        %eq3A_92 = arith.cmpi eq, %sub3A_52, %eq3A_91 : i32
        %convert_element_type3A_93 = arith.extui %eq3A_92 : i1 to i32
        %cond3A_94 = arith.constant 0 : i32
        %cond3A_95 = arith.cmpi ne, %convert_element_type3A_93, %cond3A_94 : i32
        scf.if %cond3A_95 {
          %add3A_101 = arith.constant 1 : i32
          %add3A_102 = arith.addi %scan3A_50, %add3A_101 : i32
          %scan3A_103 = arith.constant 0 : i32
          %scan3A_104 = arith.constant 0 : i32
          %scan3A_105 = arith.constant 16 : i32
          %scan3A_106 = arith.addi %scan3A_104, %scan3A_105 : i32
          %scan3A_107 = arith.constant 1 : i32
          scf.for %scan3A_109 = %scan3A_104 to %scan3A_106 step %scan3A_107  : i32 {
            %mul3A_110 = arith.constant 16 : i32
            %mul3A_111 = arith.muli %add3A_102, %mul3A_110 : i32
            %add3A_112 = arith.addi %mul3A_111, %scan3A_109 : i32
            %mul3A_113 = arith.constant 100352 : i32
            %mul3A_114 = arith.muli %add3A_112, %mul3A_113 : i32
            %multiple_of3A = tpu.assume_multiple %mul3A_114, 128 : i32
            %dma_start3A_115 = arith.constant 0 : i32
            %dma_start3A_116 = arith.constant 0 : i32
            %dma_start3A_117 = arith.constant 0 : i32
            %dma_start3A_118 = tpu.memref_slice %arg6[%dma_start3A_116, %scan3A_109, %dma_start3A_117] : memref<2x16x512xf32, #tpu.memory_space<vmem>> -> memref<1x1x512xf32, #tpu.memory_space<vmem>>
            %dma_start3A_119 = tpu.memref_squeeze %dma_start3A_118 : memref<1x1x512xf32, #tpu.memory_space<vmem>> -> memref<512xf32, #tpu.memory_space<vmem>>
            %dma_start3A_120 = arith.constant 0 : i32
            %dma_start3A_121 = tpu.memref_slice %arg5[%dma_start3A_115, %dma_start3A_120] : memref<2x512xi32, #tpu.memory_space<vmem>> -> memref<1x512xi32, #tpu.memory_space<vmem>>
            %dma_start3A_122 = tpu.memref_squeeze %dma_start3A_121 : memref<1x512xi32, #tpu.memory_space<vmem>> -> memref<512xi32, #tpu.memory_space<vmem>>
            %dma_start3A_123 = tpu.memref_slice %arg3[%multiple_of3A] : memref<41746432xf32, #tpu.memory_space<hbm>> -> memref<100352xf32, #tpu.memory_space<hbm>>
            %dma_start3A_124 = arith.constant 0 : i32
            %dma_start3A_125 = tpu.memref_slice %dma_start3A_123[%dma_start3A_124] : memref<100352xf32, #tpu.memory_space<hbm>> -> memref<100352xf32, #tpu.memory_space<hbm>>
            tpu.enqueue_indirect_dma source(%dma_start3A_125 : memref<100352xf32, #tpu.memory_space<hbm>>) target(%dma_start3A_119 : memref<512xf32, #tpu.memory_space<vmem>>) offsets(%dma_start3A_122 : memref<512xi32, #tpu.memory_space<vmem>>) semaphore(%arg8 : memref<!tpu.dma_semaphore, #tpu.memory_space<semaphore_mem>>)
          }
          %scan3A_108 = arith.constant 16 : i32
        } else {
        }
        %eq3A_96 = arith.constant 1 : i32
        %eq3A_97 = arith.cmpi eq, %sub3A_52, %eq3A_96 : i32
        %convert_element_type3A_98 = arith.extui %eq3A_97 : i1 to i32
        %cond3A_99 = arith.constant 0 : i32
        %cond3A_100 = arith.cmpi ne, %convert_element_type3A_98, %cond3A_99 : i32
        scf.if %cond3A_100 {
          %add3A_101 = arith.constant 1 : i32
          %add3A_102 = arith.addi %scan3A_50, %add3A_101 : i32
          %scan3A_103 = arith.constant 0 : i32
          %scan3A_104 = arith.constant 0 : i32
          %scan3A_105 = arith.constant 16 : i32
          %scan3A_106 = arith.addi %scan3A_104, %scan3A_105 : i32
          %scan3A_107 = arith.constant 1 : i32
          scf.for %scan3A_109 = %scan3A_104 to %scan3A_106 step %scan3A_107  : i32 {
            %mul3A_110 = arith.constant 16 : i32
            %mul3A_111 = arith.muli %add3A_102, %mul3A_110 : i32
            %add3A_112 = arith.addi %mul3A_111, %scan3A_109 : i32
            %mul3A_113 = arith.constant 100352 : i32
            %mul3A_114 = arith.muli %add3A_112, %mul3A_113 : i32
            %multiple_of3A = tpu.assume_multiple %mul3A_114, 128 : i32
            %dma_start3A_115 = arith.constant 1 : i32
            %dma_start3A_116 = arith.constant 1 : i32
            %dma_start3A_117 = arith.constant 0 : i32
            %dma_start3A_118 = tpu.memref_slice %arg6[%dma_start3A_116, %scan3A_109, %dma_start3A_117] : memref<2x16x512xf32, #tpu.memory_space<vmem>> -> memref<1x1x512xf32, #tpu.memory_space<vmem>>
            %dma_start3A_119 = tpu.memref_squeeze %dma_start3A_118 : memref<1x1x512xf32, #tpu.memory_space<vmem>> -> memref<512xf32, #tpu.memory_space<vmem>>
            %dma_start3A_120 = arith.constant 0 : i32
            %dma_start3A_121 = tpu.memref_slice %arg5[%dma_start3A_115, %dma_start3A_120] : memref<2x512xi32, #tpu.memory_space<vmem>> -> memref<1x512xi32, #tpu.memory_space<vmem>>
            %dma_start3A_122 = tpu.memref_squeeze %dma_start3A_121 : memref<1x512xi32, #tpu.memory_space<vmem>> -> memref<512xi32, #tpu.memory_space<vmem>>
            %dma_start3A_123 = tpu.memref_slice %arg3[%multiple_of3A] : memref<41746432xf32, #tpu.memory_space<hbm>> -> memref<100352xf32, #tpu.memory_space<hbm>>
            %dma_start3A_124 = arith.constant 0 : i32
            %dma_start3A_125 = tpu.memref_slice %dma_start3A_123[%dma_start3A_124] : memref<100352xf32, #tpu.memory_space<hbm>> -> memref<100352xf32, #tpu.memory_space<hbm>>
            tpu.enqueue_indirect_dma source(%dma_start3A_125 : memref<100352xf32, #tpu.memory_space<hbm>>) target(%dma_start3A_119 : memref<512xf32, #tpu.memory_space<vmem>>) offsets(%dma_start3A_122 : memref<512xi32, #tpu.memory_space<vmem>>) semaphore(%arg9 : memref<!tpu.dma_semaphore, #tpu.memory_space<semaphore_mem>>)
          }
          %scan3A_108 = arith.constant 16 : i32
        } else {
        }
      } else {
      }
      %eq3A = arith.constant 0 : i32
      %eq3A_57 = arith.cmpi eq, %rem3A_51, %eq3A : i32
      %convert_element_type3A_58 = arith.extui %eq3A_57 : i1 to i32
      %cond3A_59 = arith.constant 0 : i32
      %cond3A_60 = arith.cmpi ne, %convert_element_type3A_58, %cond3A_59 : i32
      scf.if %cond3A_60 {
        %dma_wait3A_66 = arith.constant 0 : i32
        %dma_wait3A_67 = arith.constant 0 : i32
        %dma_wait3A_68 = arith.constant 0 : i32
        %dma_wait3A_69 = arith.constant 0 : i32
        %dma_wait3A_70 = tpu.memref_slice %arg6[%dma_wait3A_67, %dma_wait3A_68, %dma_wait3A_69] : memref<2x16x512xf32, #tpu.memory_space<vmem>> -> memref<1x16x512xf32, #tpu.memory_space<vmem>>
        %dma_wait3A_71 = tpu.memref_squeeze %dma_wait3A_70 : memref<1x16x512xf32, #tpu.memory_space<vmem>> -> memref<16x512xf32, #tpu.memory_space<vmem>>
        %dma_wait3A_72 = arith.constant 0 : i32
        %dma_wait3A_73 = arith.constant 0 : i32
        %dma_wait3A_74 = tpu.memref_slice %arg4[%dma_wait3A_66, %dma_wait3A_72, %dma_wait3A_73] : memref<39x16x16384xf32, #tpu.memory_space<hbm>> -> memref<1x16x512xf32, #tpu.memory_space<hbm>>
        %dma_wait3A_75 = tpu.memref_squeeze %dma_wait3A_74 : memref<1x16x512xf32, #tpu.memory_space<hbm>> -> memref<16x512xf32, #tpu.memory_space<hbm>>
        %dma_wait3A_76 = arith.constant 0 : i32
        %dma_wait3A_77 = arith.constant 0 : i32
        %dma_wait3A_78 = tpu.memref_slice %arg6[%dma_wait3A_67, %dma_wait3A_76, %dma_wait3A_77] : memref<2x16x512xf32, #tpu.memory_space<vmem>> -> memref<1x16x512xf32, #tpu.memory_space<vmem>>
        %dma_wait3A_79 = tpu.memref_squeeze %dma_wait3A_78 : memref<1x16x512xf32, #tpu.memory_space<vmem>> -> memref<16x512xf32, #tpu.memory_space<vmem>>
        %dma_wait3A_80 = arith.constant 0 : i32
        %dma_wait3A_81 = arith.constant 0 : i32
        %dma_wait3A_82 = tpu.memref_slice %arg4[%dma_wait3A_66, %dma_wait3A_80, %dma_wait3A_81] : memref<39x16x16384xf32, #tpu.memory_space<hbm>> -> memref<1x16x512xf32, #tpu.memory_space<hbm>>
        %dma_wait3A_83 = tpu.memref_squeeze %dma_wait3A_82 : memref<1x16x512xf32, #tpu.memory_space<hbm>> -> memref<16x512xf32, #tpu.memory_space<hbm>>
        tpu.wait_dma2 semaphore(%arg8 : memref<!tpu.dma_semaphore, #tpu.memory_space<semaphore_mem>>) src(%dma_wait3A_83 : memref<16x512xf32, #tpu.memory_space<hbm>>) dst(%dma_wait3A_79 : memref<16x512xf32, #tpu.memory_space<vmem>>)
        %add3A_84 = arith.constant 13 : i32
        %add3A_85 = arith.addi %add3A_84, %scan3A_50 : i32
        %dma_start3A = arith.constant 0 : i32
        %dma_start3A_86 = arith.constant 0 : i32
        %dma_start3A_87 = arith.constant 0 : i32
        %dma_start3A_88 = tpu.memref_slice %arg6[%dma_start3A, %dma_start3A_86, %dma_start3A_87] : memref<2x16x512xf32, #tpu.memory_space<vmem>> -> memref<1x16x512xf32, #tpu.memory_space<vmem>>
        %dma_start3A_89 = tpu.memref_squeeze %dma_start3A_88 : memref<1x16x512xf32, #tpu.memory_space<vmem>> -> memref<16x512xf32, #tpu.memory_space<vmem>>
        %dma_start3A_90 = arith.constant 0 : i32
        %dma_start3A_91 = tpu.memref_slice %arg4[%add3A_85, %dma_start3A_90, %mul3A_2] : memref<39x16x16384xf32, #tpu.memory_space<hbm>> -> memref<1x16x512xf32, #tpu.memory_space<hbm>>
        %dma_start3A_92 = tpu.memref_squeeze %dma_start3A_91 : memref<1x16x512xf32, #tpu.memory_space<hbm>> -> memref<16x512xf32, #tpu.memory_space<hbm>>
        %dma_start3A_93 = arith.constant 0 : i32
        %dma_start3A_94 = tpu.memref_slice %arg4[%add3A_85, %dma_start3A_93, %mul3A_2] : memref<39x16x16384xf32, #tpu.memory_space<hbm>> -> memref<1x16x512xf32, #tpu.memory_space<hbm>>
        %dma_start3A_95 = tpu.memref_squeeze %dma_start3A_94 : memref<1x16x512xf32, #tpu.memory_space<hbm>> -> memref<16x512xf32, #tpu.memory_space<hbm>>
        %dma_start3A_96 = arith.constant 0 : i32
        %dma_start3A_97 = arith.constant 0 : i32
        %dma_start3A_98 = tpu.memref_slice %arg6[%dma_start3A, %dma_start3A_96, %dma_start3A_97] : memref<2x16x512xf32, #tpu.memory_space<vmem>> -> memref<1x16x512xf32, #tpu.memory_space<vmem>>
        %dma_start3A_99 = tpu.memref_squeeze %dma_start3A_98 : memref<1x16x512xf32, #tpu.memory_space<vmem>> -> memref<16x512xf32, #tpu.memory_space<vmem>>
        tpu.enqueue_dma source(%dma_start3A_99 : memref<16x512xf32, #tpu.memory_space<vmem>>) target(%dma_start3A_95 : memref<16x512xf32, #tpu.memory_space<hbm>>) target_semaphore(%arg10 : memref<!tpu.dma_semaphore, #tpu.memory_space<semaphore_mem>>)
      } else {
      }
      %eq3A_61 = arith.constant 1 : i32
      %eq3A_62 = arith.cmpi eq, %rem3A_51, %eq3A_61 : i32
      %convert_element_type3A_63 = arith.extui %eq3A_62 : i1 to i32
      %cond3A_64 = arith.constant 0 : i32
      %cond3A_65 = arith.cmpi ne, %convert_element_type3A_63, %cond3A_64 : i32
      scf.if %cond3A_65 {
        %dma_wait3A_66 = arith.constant 0 : i32
        %dma_wait3A_67 = arith.constant 1 : i32
        %dma_wait3A_68 = arith.constant 0 : i32
        %dma_wait3A_69 = arith.constant 0 : i32
        %dma_wait3A_70 = tpu.memref_slice %arg6[%dma_wait3A_67, %dma_wait3A_68, %dma_wait3A_69] : memref<2x16x512xf32, #tpu.memory_space<vmem>> -> memref<1x16x512xf32, #tpu.memory_space<vmem>>
        %dma_wait3A_71 = tpu.memref_squeeze %dma_wait3A_70 : memref<1x16x512xf32, #tpu.memory_space<vmem>> -> memref<16x512xf32, #tpu.memory_space<vmem>>
        %dma_wait3A_72 = arith.constant 0 : i32
        %dma_wait3A_73 = arith.constant 0 : i32
        %dma_wait3A_74 = tpu.memref_slice %arg4[%dma_wait3A_66, %dma_wait3A_72, %dma_wait3A_73] : memref<39x16x16384xf32, #tpu.memory_space<hbm>> -> memref<1x16x512xf32, #tpu.memory_space<hbm>>
        %dma_wait3A_75 = tpu.memref_squeeze %dma_wait3A_74 : memref<1x16x512xf32, #tpu.memory_space<hbm>> -> memref<16x512xf32, #tpu.memory_space<hbm>>
        %dma_wait3A_76 = arith.constant 0 : i32
        %dma_wait3A_77 = arith.constant 0 : i32
        %dma_wait3A_78 = tpu.memref_slice %arg6[%dma_wait3A_67, %dma_wait3A_76, %dma_wait3A_77] : memref<2x16x512xf32, #tpu.memory_space<vmem>> -> memref<1x16x512xf32, #tpu.memory_space<vmem>>
        %dma_wait3A_79 = tpu.memref_squeeze %dma_wait3A_78 : memref<1x16x512xf32, #tpu.memory_space<vmem>> -> memref<16x512xf32, #tpu.memory_space<vmem>>
        %dma_wait3A_80 = arith.constant 0 : i32
        %dma_wait3A_81 = arith.constant 0 : i32
        %dma_wait3A_82 = tpu.memref_slice %arg4[%dma_wait3A_66, %dma_wait3A_80, %dma_wait3A_81] : memref<39x16x16384xf32, #tpu.memory_space<hbm>> -> memref<1x16x512xf32, #tpu.memory_space<hbm>>
        %dma_wait3A_83 = tpu.memref_squeeze %dma_wait3A_82 : memref<1x16x512xf32, #tpu.memory_space<hbm>> -> memref<16x512xf32, #tpu.memory_space<hbm>>
        tpu.wait_dma2 semaphore(%arg9 : memref<!tpu.dma_semaphore, #tpu.memory_space<semaphore_mem>>) src(%dma_wait3A_83 : memref<16x512xf32, #tpu.memory_space<hbm>>) dst(%dma_wait3A_79 : memref<16x512xf32, #tpu.memory_space<vmem>>)
        %add3A_84 = arith.constant 13 : i32
        %add3A_85 = arith.addi %add3A_84, %scan3A_50 : i32
        %dma_start3A = arith.constant 1 : i32
        %dma_start3A_86 = arith.constant 0 : i32
        %dma_start3A_87 = arith.constant 0 : i32
        %dma_start3A_88 = tpu.memref_slice %arg6[%dma_start3A, %dma_start3A_86, %dma_start3A_87] : memref<2x16x512xf32, #tpu.memory_space<vmem>> -> memref<1x16x512xf32, #tpu.memory_space<vmem>>
        %dma_start3A_89 = tpu.memref_squeeze %dma_start3A_88 : memref<1x16x512xf32, #tpu.memory_space<vmem>> -> memref<16x512xf32, #tpu.memory_space<vmem>>
        %dma_start3A_90 = arith.constant 0 : i32
        %dma_start3A_91 = tpu.memref_slice %arg4[%add3A_85, %dma_start3A_90, %mul3A_2] : memref<39x16x16384xf32, #tpu.memory_space<hbm>> -> memref<1x16x512xf32, #tpu.memory_space<hbm>>
        %dma_start3A_92 = tpu.memref_squeeze %dma_start3A_91 : memref<1x16x512xf32, #tpu.memory_space<hbm>> -> memref<16x512xf32, #tpu.memory_space<hbm>>
        %dma_start3A_93 = arith.constant 0 : i32
        %dma_start3A_94 = tpu.memref_slice %arg4[%add3A_85, %dma_start3A_93, %mul3A_2] : memref<39x16x16384xf32, #tpu.memory_space<hbm>> -> memref<1x16x512xf32, #tpu.memory_space<hbm>>
        %dma_start3A_95 = tpu.memref_squeeze %dma_start3A_94 : memref<1x16x512xf32, #tpu.memory_space<hbm>> -> memref<16x512xf32, #tpu.memory_space<hbm>>
        %dma_start3A_96 = arith.constant 0 : i32
        %dma_start3A_97 = arith.constant 0 : i32
        %dma_start3A_98 = tpu.memref_slice %arg6[%dma_start3A, %dma_start3A_96, %dma_start3A_97] : memref<2x16x512xf32, #tpu.memory_space<vmem>> -> memref<1x16x512xf32, #tpu.memory_space<vmem>>
        %dma_start3A_99 = tpu.memref_squeeze %dma_start3A_98 : memref<1x16x512xf32, #tpu.memory_space<vmem>> -> memref<16x512xf32, #tpu.memory_space<vmem>>
        tpu.enqueue_dma source(%dma_start3A_99 : memref<16x512xf32, #tpu.memory_space<vmem>>) target(%dma_start3A_95 : memref<16x512xf32, #tpu.memory_space<hbm>>) target_semaphore(%arg10 : memref<!tpu.dma_semaphore, #tpu.memory_space<semaphore_mem>>)
      } else {
      }
    }
    %scan3A_14 = arith.constant 26 : i32
    %dma_wait3A = arith.constant 0 : i32
    %dma_wait3A_15 = arith.constant 0 : i32
    %dma_wait3A_16 = arith.constant 0 : i32
    %dma_wait3A_17 = arith.constant 0 : i32
    %dma_wait3A_18 = tpu.memref_slice %arg6[%dma_wait3A, %dma_wait3A_16, %dma_wait3A_17] : memref<2x16x512xf32, #tpu.memory_space<vmem>> -> memref<1x16x512xf32, #tpu.memory_space<vmem>>
    %dma_wait3A_19 = tpu.memref_squeeze %dma_wait3A_18 : memref<1x16x512xf32, #tpu.memory_space<vmem>> -> memref<16x512xf32, #tpu.memory_space<vmem>>
    %dma_wait3A_20 = arith.constant 0 : i32
    %dma_wait3A_21 = arith.constant 0 : i32
    %dma_wait3A_22 = tpu.memref_slice %arg4[%dma_wait3A_15, %dma_wait3A_20, %dma_wait3A_21] : memref<39x16x16384xf32, #tpu.memory_space<hbm>> -> memref<1x16x512xf32, #tpu.memory_space<hbm>>
    %dma_wait3A_23 = tpu.memref_squeeze %dma_wait3A_22 : memref<1x16x512xf32, #tpu.memory_space<hbm>> -> memref<16x512xf32, #tpu.memory_space<hbm>>
    %dma_wait3A_24 = arith.constant 0 : i32
    %dma_wait3A_25 = arith.constant 0 : i32
    %dma_wait3A_26 = tpu.memref_slice %arg4[%dma_wait3A_15, %dma_wait3A_24, %dma_wait3A_25] : memref<39x16x16384xf32, #tpu.memory_space<hbm>> -> memref<1x16x512xf32, #tpu.memory_space<hbm>>
    %dma_wait3A_27 = tpu.memref_squeeze %dma_wait3A_26 : memref<1x16x512xf32, #tpu.memory_space<hbm>> -> memref<16x512xf32, #tpu.memory_space<hbm>>
    %dma_wait3A_28 = arith.constant 0 : i32
    %dma_wait3A_29 = arith.constant 0 : i32
    %dma_wait3A_30 = tpu.memref_slice %arg6[%dma_wait3A, %dma_wait3A_28, %dma_wait3A_29] : memref<2x16x512xf32, #tpu.memory_space<vmem>> -> memref<1x16x512xf32, #tpu.memory_space<vmem>>
    %dma_wait3A_31 = tpu.memref_squeeze %dma_wait3A_30 : memref<1x16x512xf32, #tpu.memory_space<vmem>> -> memref<16x512xf32, #tpu.memory_space<vmem>>
    tpu.wait_dma2 semaphore(%arg10 : memref<!tpu.dma_semaphore, #tpu.memory_space<semaphore_mem>>) src(%dma_wait3A_31 : memref<16x512xf32, #tpu.memory_space<vmem>>) dst(%dma_wait3A_27 : memref<16x512xf32, #tpu.memory_space<hbm>>)
    %dma_wait3A_32 = arith.constant 0 : i32
    %dma_wait3A_33 = arith.constant 0 : i32
    %dma_wait3A_34 = arith.constant 0 : i32
    %dma_wait3A_35 = arith.constant 0 : i32
    %dma_wait3A_36 = tpu.memref_slice %arg6[%dma_wait3A_32, %dma_wait3A_34, %dma_wait3A_35] : memref<2x16x512xf32, #tpu.memory_space<vmem>> -> memref<1x16x512xf32, #tpu.memory_space<vmem>>
    %dma_wait3A_37 = tpu.memref_squeeze %dma_wait3A_36 : memref<1x16x512xf32, #tpu.memory_space<vmem>> -> memref<16x512xf32, #tpu.memory_space<vmem>>
    %dma_wait3A_38 = arith.constant 0 : i32
    %dma_wait3A_39 = arith.constant 0 : i32
    %dma_wait3A_40 = tpu.memref_slice %arg4[%dma_wait3A_33, %dma_wait3A_38, %dma_wait3A_39] : memref<39x16x16384xf32, #tpu.memory_space<hbm>> -> memref<1x16x512xf32, #tpu.memory_space<hbm>>
    %dma_wait3A_41 = tpu.memref_squeeze %dma_wait3A_40 : memref<1x16x512xf32, #tpu.memory_space<hbm>> -> memref<16x512xf32, #tpu.memory_space<hbm>>
    %dma_wait3A_42 = arith.constant 0 : i32
    %dma_wait3A_43 = arith.constant 0 : i32
    %dma_wait3A_44 = tpu.memref_slice %arg4[%dma_wait3A_33, %dma_wait3A_42, %dma_wait3A_43] : memref<39x16x16384xf32, #tpu.memory_space<hbm>> -> memref<1x16x512xf32, #tpu.memory_space<hbm>>
    %dma_wait3A_45 = tpu.memref_squeeze %dma_wait3A_44 : memref<1x16x512xf32, #tpu.memory_space<hbm>> -> memref<16x512xf32, #tpu.memory_space<hbm>>
    %dma_wait3A_46 = arith.constant 0 : i32
    %dma_wait3A_47 = arith.constant 0 : i32
    %dma_wait3A_48 = tpu.memref_slice %arg6[%dma_wait3A_32, %dma_wait3A_46, %dma_wait3A_47] : memref<2x16x512xf32, #tpu.memory_space<vmem>> -> memref<1x16x512xf32, #tpu.memory_space<vmem>>
    %dma_wait3A_49 = tpu.memref_squeeze %dma_wait3A_48 : memref<1x16x512xf32, #tpu.memory_space<vmem>> -> memref<16x512xf32, #tpu.memory_space<vmem>>
    tpu.wait_dma2 semaphore(%arg10 : memref<!tpu.dma_semaphore, #tpu.memory_space<semaphore_mem>>) src(%dma_wait3A_49 : memref<16x512xf32, #tpu.memory_space<vmem>>) dst(%dma_wait3A_45 : memref<16x512xf32, #tpu.memory_space<hbm>>)
    return
  }
}

module attributes {stable_mosaic.version = 14 : i64} {
  func.func @body(%arg0: i32, %arg1: memref<1x16x100352xf32, #tpu.memory_space<vmem>>, %arg2: memref<1605632xf32, #tpu.memory_space<vmem>>) attributes {dimension_semantics = [#tpu.dimension_semantics<arbitrary>], iteration_bounds = array<i64: 26>, scalar_prefetch = 0 : i64, scratch_operands = 0 : i64, tpu.core_type = #tpu.core_type<tc>, window_params = [{transform_indices = @transform_0, window_bounds = array<i64: 1, 16, 100352>}, {transform_indices = @transform_1, window_bounds = array<i64: 1605632>}]} {
    %get3A = arith.constant 0 : index
    %get3A_0 = arith.constant 0 : index
    %get3A_1 = arith.constant 0 : index
    %get3A_2 = vector.load %arg1[%get3A, %get3A_0, %get3A_1] : memref<1x16x100352xf32, #tpu.memory_space<vmem>>, vector<1x16x100352xf32>
    %get3A_3 = vector.shape_cast %get3A_2 : vector<1x16x100352xf32> to vector<16x100352xf32>
    %reshape3A = vector.shape_cast %get3A_3 : vector<16x100352xf32> to vector<1605632xf32>
    %swap3A = arith.constant 0 : index
    %swap3A_4 = vector.load %arg2[%swap3A] : memref<1605632xf32, #tpu.memory_space<vmem>>, vector<1605632xf32>
    tpu.vector_store %arg2[%swap3A], %reshape3A {strides = array<i32>} : memref<1605632xf32, #tpu.memory_space<vmem>>, vector<1605632xf32>,
    return
  }
  func.func @transform_0(%arg0: i32) -> (i32, i32, i32) {
    %c0_i32 = arith.constant 0 : i32
    %c0_i32_0 = arith.constant 0 : i32
    %c0_i32_1 = arith.constant 0 : i32
    return %arg0, %c0_i32, %c0_i32_0 : i32, i32, i32
  }
  func.func @transform_1(%arg0: i32) -> i32 {
    %c0_i32 = arith.constant 0 : i32
    return %arg0 : i32
  }
}

module attributes {stable_mosaic.version = 14 : i64} {
  func.func @body(%arg0: i32, %arg1: memref<13x16384xf32, #tpu.memory_space<vmem>>, %arg2: memref<13x2048xf32, #tpu.memory_space<vmem>>, %arg3: memref<13x1xf32, #tpu.memory_space<vmem>>, %arg4: memref<13x1xf32, #tpu.memory_space<vmem>>, %arg5: memref<13x16x1xf32, #tpu.memory_space<vmem>>, %arg6: memref<13x16x1xf32, #tpu.memory_space<vmem>>, %arg7: memref<39x16x16384xf32, #tpu.memory_space<any>>, %arg8: memref<13x16x2048xf32, #tpu.memory_space<vmem>>) attributes {dimension_semantics = [#tpu.dimension_semantics<arbitrary>], iteration_bounds = array<i64: 8>, scalar_prefetch = 0 : i64, scratch_operands = 0 : i64, tpu.core_type = #tpu.core_type<tc>, window_params = [{pipeline_mode = #tpu.pipeline_mode<synchronous>, transform_indices = @transform_0, window_bounds = array<i64: 13, 16384>}, {transform_indices = @transform_1, window_bounds = array<i64: 13, 2048>}, {pipeline_mode = #tpu.pipeline_mode<synchronous>, transform_indices = @transform_2, window_bounds = array<i64: 13, 1>}, {pipeline_mode = #tpu.pipeline_mode<synchronous>, transform_indices = @transform_3, window_bounds = array<i64: 13, 1>}, {pipeline_mode = #tpu.pipeline_mode<synchronous>, transform_indices = @transform_4, window_bounds = array<i64: 13, 16, 1>}, {pipeline_mode = #tpu.pipeline_mode<synchronous>, transform_indices = @transform_5, window_bounds = array<i64: 13, 16, 1>}, {}, {transform_indices = @transform_7, window_bounds = array<i64: 13, 16, 2048>}]} {
    %get3A = arith.constant 0 : index
    %get3A_0 = arith.constant 0 : index
    %get3A_1 = vector.load %arg1[%get3A, %get3A_0] : memref<13x16384xf32, #tpu.memory_space<vmem>>, vector<13x16384xf32>
    %reduce_sum3A = arith.constant dense<0.000000e+00> : vector<13xf32>
    %reduce_sum3A_2 = vector.multi_reduction <add>, %get3A_1, %reduce_sum3A [1] : vector<13x16384xf32> to vector<13xf32>
    %broadcast_in_dim3A = vector.shape_cast %reduce_sum3A_2 : vector<13xf32> to vector<13x1xf32>
    %div3A = arith.constant 1.638400e+04 : f32
    %div3A_3 = vector.broadcast %div3A : f32 to vector<13x1xf32>
    %div3A_4 = arith.divf %broadcast_in_dim3A, %div3A_3 : vector<13x1xf32>
    %mul3A = arith.mulf %get3A_1, %get3A_1 : vector<13x16384xf32>
    %reduce_sum3A_5 = arith.constant dense<0.000000e+00> : vector<13xf32>
    %reduce_sum3A_6 = vector.multi_reduction <add>, %mul3A, %reduce_sum3A_5 [1] : vector<13x16384xf32> to vector<13xf32>
    %broadcast_in_dim3A_7 = vector.shape_cast %reduce_sum3A_6 : vector<13xf32> to vector<13x1xf32>
    %div3A_8 = arith.constant 1.638400e+04 : f32
    %div3A_9 = vector.broadcast %div3A_8 : f32 to vector<13x1xf32>
    %div3A_10 = arith.divf %broadcast_in_dim3A_7, %div3A_9 : vector<13x1xf32>
    %mul3A_11 = arith.mulf %div3A_4, %div3A_4 : vector<13x1xf32>
    %sub3A = arith.subf %div3A_10, %mul3A_11 : vector<13x1xf32>
    %add3A = arith.constant 9.99999974E-6 : f32
    %add3A_12 = vector.broadcast %add3A : f32 to vector<13x1xf32>
    %add3A_13 = arith.addf %sub3A, %add3A_12 : vector<13x1xf32>
    %rsqrt3A = math.rsqrt %add3A_13 : vector<13x1xf32>
    %get3A_14 = arith.constant 0 : index
    %get3A_15 = arith.constant 0 : index
    %get3A_16 = vector.load %arg3[%get3A_14, %get3A_15] : memref<13x1xf32, #tpu.memory_space<vmem>>, vector<13x1xf32>
    %mul3A_17 = arith.mulf %rsqrt3A, %get3A_16 : vector<13x1xf32>
    %get3A_18 = arith.constant 0 : index
    %get3A_19 = arith.constant 0 : index
    %get3A_20 = vector.load %arg2[%get3A_18, %get3A_19] : memref<13x2048xf32, #tpu.memory_space<vmem>>, vector<13x2048xf32>
    %sub3A_21 = vector.broadcast %div3A_4 : vector<13x1xf32> to vector<13x2048xf32>
    %sub3A_22 = arith.subf %get3A_20, %sub3A_21 : vector<13x2048xf32>
    %mul3A_23 = vector.broadcast %mul3A_17 : vector<13x1xf32> to vector<13x2048xf32>
    %mul3A_24 = arith.mulf %sub3A_22, %mul3A_23 : vector<13x2048xf32>
    %get3A_25 = arith.constant 0 : index
    %get3A_26 = arith.constant 0 : index
    %get3A_27 = vector.load %arg4[%get3A_25, %get3A_26] : memref<13x1xf32, #tpu.memory_space<vmem>>, vector<13x1xf32>
    %add3A_28 = vector.broadcast %get3A_27 : vector<13x1xf32> to vector<13x2048xf32>
    %add3A_29 = arith.addf %mul3A_24, %add3A_28 : vector<13x2048xf32>
    %get3A_30 = arith.constant 0 : index
    %get3A_31 = arith.constant 0 : index
    %get3A_32 = arith.constant 0 : index
    %get3A_33 = vector.load %arg5[%get3A_30, %get3A_31, %get3A_32] : memref<13x16x1xf32, #tpu.memory_space<vmem>>, vector<13x16x1xf32>
    %broadcast_in_dim3A_34 = vector.shape_cast %add3A_29 : vector<13x2048xf32> to vector<13x1x2048xf32>
    %mul3A_35 = vector.broadcast %get3A_33 : vector<13x16x1xf32> to vector<13x16x2048xf32>
    %mul3A_36 = vector.broadcast %broadcast_in_dim3A_34 : vector<13x1x2048xf32> to vector<13x16x2048xf32>
    %mul3A_37 = arith.mulf %mul3A_35, %mul3A_36 : vector<13x16x2048xf32>
    %get3A_38 = arith.constant 0 : index
    %get3A_39 = arith.constant 0 : index
    %get3A_40 = arith.constant 0 : index
    %get3A_41 = vector.load %arg6[%get3A_38, %get3A_39, %get3A_40] : memref<13x16x1xf32, #tpu.memory_space<vmem>>, vector<13x16x1xf32>
    %add3A_42 = vector.broadcast %get3A_41 : vector<13x16x1xf32> to vector<13x16x2048xf32>
    %add3A_43 = arith.addf %mul3A_37, %add3A_42 : vector<13x16x2048xf32>
    %swap3A = arith.constant 0 : index
    %swap3A_44 = arith.constant 0 : index
    %swap3A_45 = arith.constant 0 : index
    %swap3A_46 = vector.load %arg8[%swap3A, %swap3A_44, %swap3A_45] : memref<13x16x2048xf32, #tpu.memory_space<vmem>>, vector<13x16x2048xf32>
    tpu.vector_store %arg8[%swap3A, %swap3A_44, %swap3A_45], %add3A_43 {strides = array<i32>} : memref<13x16x2048xf32, #tpu.memory_space<vmem>>, vector<13x16x2048xf32>,
    return
  }
  func.func @transform_0(%arg0: i32) -> (i32, i32) {
    %c0_i32 = arith.constant 0 : i32
    %c0_i32_0 = arith.constant 0 : i32
    %c0_i32_1 = arith.constant 0 : i32
    return %c0_i32, %c0_i32_0 : i32, i32
  }
  func.func @transform_1(%arg0: i32) -> (i32, i32) {
    %c0_i32 = arith.constant 0 : i32
    %c0_i32_0 = arith.constant 0 : i32
    return %c0_i32, %arg0 : i32, i32
  }
  func.func @transform_2(%arg0: i32) -> (i32, i32) {
    %c0_i32 = arith.constant 0 : i32
    %c0_i32_0 = arith.constant 0 : i32
    %c0_i32_1 = arith.constant 0 : i32
    return %c0_i32, %c0_i32_0 : i32, i32
  }
  func.func @transform_3(%arg0: i32) -> (i32, i32) {
    %c0_i32 = arith.constant 0 : i32
    %c0_i32_0 = arith.constant 0 : i32
    %c0_i32_1 = arith.constant 0 : i32
    return %c0_i32, %c0_i32_0 : i32, i32
  }
  func.func @transform_4(%arg0: i32) -> (i32, i32, i32) {
    %c0_i32 = arith.constant 0 : i32
    %c0_i32_0 = arith.constant 0 : i32
    %c0_i32_1 = arith.constant 0 : i32
    %c0_i32_2 = arith.constant 0 : i32
    return %c0_i32, %c0_i32_0, %c0_i32_1 : i32, i32, i32
  }
  func.func @transform_5(%arg0: i32) -> (i32, i32, i32) {
    %c0_i32 = arith.constant 0 : i32
    %c0_i32_0 = arith.constant 0 : i32
    %c0_i32_1 = arith.constant 0 : i32
    %c0_i32_2 = arith.constant 0 : i32
    return %c0_i32, %c0_i32_0, %c0_i32_1 : i32, i32, i32
  }
  func.func @transform_7(%arg0: i32) -> (i32, i32, i32) {
    %c0_i32 = arith.constant 0 : i32
    %c0_i32_0 = arith.constant 0 : i32
    %c0_i32_1 = arith.constant 0 : i32
    return %c0_i32, %c0_i32_0, %arg0 : i32, i32, i32
  }
}

</mosaic_0001>

<sc_bundles>
// kernel: sc_embedding_gather.3.cloned.1.call-start
scs
__scs_entry_jumppad:
0x0: {  	(pc) =	sbr.rel $0x88, $3  }
0x1: {  	(tag) =	ssettag $0x0;
	lr =	simm.s32 $0x1  }
0x2: {  	[smem:$0x3F9A] =	sst lr;
	_ =	strace $0xD0000000  }
0x3: {  	_ = 	snop  }
0x4: {  	_ = 	snop  }
0x5: {  	_ = 	snop  }
0x6: {  	_ = 	snop  }
0x7: {  	_ = 	snop  }
__scs_overlays_trampoline_lowered:
0x8: {  	[smem:$0x3FA9] =	sst s0  }
0x9: {  	[smem:$0x3FAA] =	sst s1  }
0xa: {  	[smem:$0x3FAB] =	sst s2  }
0xb: {  	[smem:$0x3FAC] =	sst s3  }
0xc: {  	[smem:$0x3FAD] =	sst s4  }
0xd: {  	[smem:$0x3FAE] =	sst s5  }
0xe: {  	[smem:$0x3FAF] =	sst s6  }
0xf: {  	[smem:$0x3FB0] =	sst s7  }
0x10: {  	[smem:$0x3FB1] =	sst s8  }
0x11: {  	[smem:$0x3FB2] =	sst s9;
	s0 =	simm.s32 @!p0 $0x0  }
0x12: {  	s1 =	sld [smem:$0x3F98];
	s0 =	simm.s32 @p0 $0x1  }
0x13: {  	[smem:$0x3FB3] =	sst s0;
	s0 =	simm.s32 @!p1 $0x0  }
0x14: {  	s2 =	sld [smem:$0x3F97];
	s0 =	simm.s32 @p1 $0x1  }
0x15: {  	[smem:$0x3FB4] =	sst s0;
	s0 =	simm.s32 @!p2 $0x0  }
0x16: {  	s3 =	sld [smem:$0x3FDB];
	s0 =	simm.s32 @p2 $0x1  }
0x17: {  	s4 =	simm.s32 $0x1BF5;
	[smem:$0x3FB6] =	sst s0  }
0x18: {  	s0 =	sld [smem:$0x3F99];
	_ =	swait.ge [sflag:s4], $0x0  }
0x19: {  	s7 =	sld [smem:$0x3F9A]  }
0x1a: {  	s8 =	sadd.s32 $0xFFFFE003, lr  }
0x1b: {  	s9 =	sadd.s32 $0xFFFFFEF7, lr;
	s5 =	simm.s32 $0xFFFFFFFF;
	p2 =	slt.u32 s8, $0xFFFFF086  }
0x1c: {  	p1 =	slt.u32 s9, $0xF7A;
	s5 =	simm.s32 @!p2 $0x0  }
0x1d: {  	s5 =	simm.s32 @p1 $0x1;
	p0 =	seq.s32 s7, s2  }
0x1e: {  	s7 =	smul.u32 @!p0 $0xF7A, s2;
	p2 =	seq.s32 @!p0 s5, $0x0  }
0x1f: {  	s9 =	smul.u32 $0xF7A, s1;
	s8 =	simm.s32 @!p0 $0x1BF5;
	p2 =	por !p2, p0  }
0x20: {  	[sflag:s8] =	ssyncset.s32 @!p0 $0xFFFFF086;
	s6 =	sadd.s32 @!p0 s3, s7;
	s7 =	simm.s32 @!p0 $0x108  }
0x21: {  	s3 =	sadd.s32 s3, s9;
	s6 =	sadd.s32 @!p0 $0x88, s6;
	s7 =	simm.s32 @p2 $0x1082  }
0x22: {  	[simem:s7], [sflag:s8] =	dma.local @!p0 [hbm:s6], $0xF7A  }
0x23: {  	s9 =	sor.u32 $0xD0000000, s2;
	s6 =	simm.s32 $0x108;
	_ =	swait.ge @!p0 [sflag:s8], $0x0  }
0x24: {  	s3 =	sadd.s32 $0x88, s3;
	s6 =	simm.s32 @!p1 $0x1082;
	[sflag:s4] =	ssyncset.s32 $0xFFFFF086  }
0x25: {  	[simem:s6], [sflag:s4] =	dma.local [hbm:s3], $0xF7A  }
0x26: {  	[smem:$0x3F9A] =	sst s1;
	(tag) =	ssettag s2;
	_ =	strace s9  }
0x27: {  	s1 =	sld [smem:$0x3FAA]  }
0x28: {  	s2 =	sld [smem:$0x3FAB]  }
0x29: {  	s4 =	sld [smem:$0x3FAD]  }
0x2a: {  	p0 =	seq.s32 s5, $0x0;
	s5 =	sld [smem:$0x3FAE]  }
0x2b: {  	s6 =	sld [smem:$0x3FAF]  }
0x2c: {  	s7 =	sld [smem:$0x3FB0]  }
0x2d: {  	s3 =	simm.s32 $0x108;
	s8 =	sld [smem:$0x3FB1]  }
0x2e: {  	s3 =	simm.s32 @!p0 $0x1082;
	s9 =	sld [smem:$0x3FB2]  }
0x2f: {  	lr =	sadd.s32 s0, s3;
	s0 =	sld [smem:$0x3FA9]  }
0x30: {  	s3 =	sld [smem:$0x3FAC]  }
0x31: {  	[smem:$0x3FB5] =	sst s10  }
0x32: {  	s10 =	sld [smem:$0x3FB3];
	_ =	sdelay $0x3  }
0x33: {  	p0 =	seq.s32 s10, $0x1;
	s10 =	sld [smem:$0x3FB5];
	_ =	sdelay $0x3  }
0x34: {  	[smem:$0x3FB5] =	sst s10  }
0x35: {  	s10 =	sld [smem:$0x3FB4];
	_ =	sdelay $0x3  }
0x36: {  	p1 =	seq.s32 s10, $0x1;
	s10 =	sld [smem:$0x3FB5];
	_ =	sdelay $0x3  }
0x37: {  	[smem:$0x3FB5] =	sst s10  }
0x38: {  	s10 =	sld [smem:$0x3FB6]  }
0x39: {  	_ = 	snop;
	(pc) =	sbr.ind lr, $3  }
0x3a: {  	_ = 	snop  }
0x3b: {  	_ = 	snop  }
0x3c: {  	p2 =	seq.s32 s10, $0x1;
	s10 =	sld [smem:$0x3FB5]  }
0x3d: {  	_ =	shalt  }
0x3e: {  	_ =	shalt  }
0x3f: {  	_ =	shalt  }
0x40: {  	_ =	shalt  }
0x41: {  	_ =	shalt  }
0x42: {  	_ =	shalt  }
0x43: {  	_ =	shalt  }
0x44: {  	_ =	shalt  }
0x45: {  	_ =	shalt  }
0x46: {  	_ =	shalt  }
0x47: {  	_ =	shalt  }
0x48: {  	_ =	shalt  }
0x49: {  	_ =	shalt  }
0x4a: {  	_ =	shalt  }
0x4b: {  	_ =	shalt  }
0x4c: {  	_ =	shalt  }
0x4d: {  	_ =	shalt  }
0x4e: {  	_ =	shalt  }
0x4f: {  	_ =	shalt  }
0x50: {  	_ =	shalt  }
0x51: {  	_ =	shalt  }
0x52: {  	_ =	shalt  }
0x53: {  	_ =	shalt  }
0x54: {  	_ =	shalt  }
0x55: {  	_ =	shalt  }
0x56: {  	_ =	shalt  }
0x57: {  	_ =	shalt  }
0x58: {  	_ =	shalt  }
0x59: {  	_ =	shalt  }
0x5a: {  	_ =	shalt  }
0x5b: {  	_ =	shalt  }
0x5c: {  	_ =	shalt  }
0x5d: {  	_ =	shalt  }
0x5e: {  	_ =	shalt  }
0x5f: {  	_ =	shalt  }
0x60: {  	_ =	shalt  }
0x61: {  	_ =	shalt  }
0x62: {  	_ =	shalt  }
0x63: {  	_ =	shalt  }
0x64: {  	_ =	shalt  }
0x65: {  	_ =	shalt  }
0x66: {  	_ =	shalt  }
0x67: {  	_ =	shalt  }
0x68: {  	_ =	shalt  }
0x69: {  	_ =	shalt  }
0x6a: {  	_ =	shalt  }
0x6b: {  	_ =	shalt  }
0x6c: {  	_ =	shalt  }
0x6d: {  	_ =	shalt  }
0x6e: {  	_ =	shalt  }
0x6f: {  	_ =	shalt  }
0x70: {  	_ =	shalt  }
0x71: {  	_ =	shalt  }
0x72: {  	_ =	shalt  }
0x73: {  	_ =	shalt  }
0x74: {  	_ =	shalt  }
0x75: {  	_ =	shalt  }
0x76: {  	_ =	shalt  }
0x77: {  	_ =	shalt  }
0x78: {  	_ =	shalt  }
0x79: {  	_ =	shalt  }
0x7a: {  	_ =	shalt  }
0x7b: {  	_ =	shalt  }
0x7c: {  	_ =	shalt  }
0x7d: {  	_ =	shalt  }
0x7e: {  	_ =	shalt  }
0x7f: {  	_ =	shalt  }
0x80: {  	_ =	shalt  }
0x81: {  	_ =	shalt  }
0x82: {  	_ =	shalt  }
0x83: {  	_ =	shalt  }
0x84: {  	_ =	shalt  }
0x85: {  	_ =	shalt  }
0x86: {  	_ =	shalt  }
0x87: {  	_ =	shalt  }
.Lfunc_end0:
.L_simem_size_0:
called_computation_lowered:
.L_overlay_start_0:
0x88: {  	s2 =	sld [smem:$0x3FD9]  }
0x89: {  	s3 =	sld [smem:$0x3FFE];
	_ =	sdelay $0x1  }
0x8a: {  	s1 =	srdreg.scid  }
0x8b: {  	s0 =	sand.u32 $0x1, s1  }
0x8c: {  	s17 =	sshll.u32 s0, $0xA;
	s2 =	sadd.s32 s3, s2  }
0x8d: {  	s2 =	sadd.s32 s2, s17  }
0x8e: {  	[smem:$0x3FC1] =	sst s2  }
0x8f: {  	_ = 	snop  }
0x90: {  	s2 =	sld [smem:$0x3FD0];
	(tm) =	ssettm $0x1  }
0x91: {  	s18 =	sld [smem:$0x3FFB];
	_ =	sdelay $0x3  }
0x92: {  	_ =	strace s18  }
0x93: {  	s3 =	sld [smem:$0x3FFC];
	_ =	sdelay $0x3  }
0x94: {  	_ =	strace s3  }
0x95: {  	s3 =	sld [smem:$0x3FFD];
	_ =	sdelay $0x3  }
0x96: {  	_ =	strace s3  }
0x97: {  	_ =	strace $0x8FFFFFFF  }
0x98: {  	s19 =	sld [smem:$0x3FDB];
	_ =	sdelay $0x1  }
0x99: {  	s4 =	simm.s32 $_scs_section_size  }
0x9a: {  	s5 =	simm.s32 $_size__tile_overlayer_lowered;
	s6 =	simm.s32 $_tile_overlayer_lowered  }
0x9b: {  	s22 =	simm.s32 $0x1BFF;
	s21 =	sshll.u32 s6, $0x1;
	s3 =	sadd.s32 s4, s19  }
0x9c: {  	s7 =	simm.s32 $0x0;
	s20 =	sshll.u32 s5, $0x1;
	s5 =	sadd.s32 s21, s3  }
0x9d: {  	[timem:s7], [sflag:s22] =	dma.local [hbm:s5], s20  }
0x9e: {  	_ =	swait.ge [sflag:s22], s20  }
0x9f: {  	s4 =	ssub.s32 $0x0, s20;
	[sflag:s22] =	ssyncset.done $0x0  }
0xa0: {  	[sflag:s22] =	ssyncadd.s32 s4;
	_ =	sdelay $0x1  }
0xa1: {  	s23 =	simm.s32 $0x1B8B  }
0xa2: {  	_ =	swait.ge [sflag:s23], $0x1  }
0xa3: {  	[sflag:s23] =	ssyncset.done $0x0  }
0xa4: {  	s25 =	simm.s32 $0x1B8E;
	s24 =	sld [smem:$0x3FFE];
	[sflag:s23] =	ssyncadd.s32 $0xFFFFFFFF  }
0xa5: {  	s26 =	simm.s32 $execute0_lowered;
	[smem:$0x3FD2] =	sst s25  }
0xa6: {  	s5 =	sshll.u32 s26, $0x1;
	_ =	strace $0x80000046;
	[dreg:$0x1] =	wrdreg $0xFFFFFFFF  }
0xa7: {  	s28 =	simm.s32 $_size_execute0_lowered;
	s3 =	sadd.s32 s3, s5;
	[dreg:$0x0] =	wrdreg $0x0  }
0xa8: {  	s5 =	sshll.u32 s28, $0x1;
	[dreg:$0x2] =	wrdreg s3  }
0xa9: {  	[dreg:$0x3] =	wrdreg s5  }
0xaa: {  	[dreg:$0x4] =	wrdreg $0xC0  }
0xab: {  	_ =	task [dreg:s7], $0x5FFFF  }
0xac: {  	[dreg:$0x1] =	wrdreg $0xFFFFFFFF  }
0xad: {  	[dreg:$0x0] =	wrdreg $0x60  }
0xae: {  	[dreg:$0x2] =	wrdreg s2  }
0xaf: {  	[dreg:$0x3] =	wrdreg s24  }
0xb0: {  	[dreg:$0x4] =	wrdreg $0x9  }
0xb1: {  	_ =	task.clear_ibuf [dreg:s7], $0x5FFFF;
	_ =	strace $0x90000046  }
0xb2: {  	s29 =	simm.s32 $0x9;
	_ =	strace $0x80000048  }
0xb3: {  	_ =	swait.ge [sflag:s29], $0x1  }
0xb4: {  	[sflag:s29] =	ssyncadd.s32 $0xFFFFFFFF  }
0xb5: {  	_ =	strace $0x90000048  }
0xb6: {  	_ =	sfence  }
0xb7: {  	s30 =	sld [smem:$0x0];
	_ =	sdelay $0x2  }
0xb8: {  	s31 =	sshll.u32 s1, $0xD;
	s1 =	sshrl.u32 s1, $0x2  }
0xb9: {  	s3 =	sand.u32 $0x4000, s31;
	s1 =	sadd.s32 s1, s30  }
0xba: {  	s0 =	sor.u32 s3, s0;
	s1 =	sshll.u32 s1, $0x11  }
0xbb: {  	s0 =	sor.u32 s1, s0  }
0xbc: {  	s0 =	sadd.s32 $0x8F2B, s0  }
0xbd: {  	[sflag:s0] =	ssyncadd.remote.s32 $0x1  }
0xbe: {  	_ =	sfence.sel $0xFFFF  }
0xbf: {  	[dreg:$0x0] =	wrdreg $0xFFFFFFFF;
	(pc) =	sbr.abs _section_cstart, $3  }
0xc0: {  	[dreg:$0x1] =	wrdreg $0xFFFFFFFF  }
0xc1: {  	_ =	task.clear_ibuf [dreg:s7], $0x2FFFF;
	_ =	strace $0x9FFFFFFF  }
0xc2: {  	(tm) =	ssettm $0x7FFFFFFF  }
0xc3: {  	_ =	shalt  }
tec
execute0_lowered:
.L_overlay_start_1:
0x0: {  	(tag) =	ssettag $0x1  }
0x1: {  	s1 =	rddreg [dreg:$0x0]  }
0x2: {  	s0 =	rddreg [dreg:$0x1];
	s3 =	simm.s32 $0x0  }
0x3: {  	[smem:$0x7FF] =	sst s3;
	s14 =	sadd.s32 $0x4100, s0  }
0x4: {  	s15 =	sadd.s32 $0x7200, s0;
	_ =	strace $0x80000047;
	[dreg:$0x5] =	wrdreg s14  }
0x5: {  	s2 =	srdreg.scid;
	s16 =	sadd.s32 $0xA300, s0;
	[dreg:$0x6] =	wrdreg s15  }
0x6: {  	s4 =	stileid.u32;
	s17 =	sadd.s32 $0xD400, s0;
	[dreg:$0x7] =	wrdreg s16  }
0x7: {  	s8 =	simm.s32 $0x1800;
	s18 =	sadd.s32 $0x10500, s0;
	[dreg:$0x8] =	wrdreg s17  }
0x8: {  	s9 =	simm.s32 $0x1A00;
	s19 =	sadd.s32 $0x13600, s0;
	[dreg:$0x9] =	wrdreg s18  }
0x9: {  	s10 =	simm.s32 $0x1C00;
	s20 =	sadd.s32 $0x16700, s0;
	[dreg:$0xa] =	wrdreg s19  }
0xa: {  	s11 =	simm.s32 $0x1E00;
	s21 =	sadd.s32 $0x19800, s0;
	[dreg:$0xb] =	wrdreg s20  }
0xb: {  	s12 =	simm.s32 $0x2000;
	s22 =	sadd.s32 $0x1C900, s0;
	[dreg:$0xc] =	wrdreg s21  }
0xc: {  	s28 =	simm.s32 $0x0;
	s23 =	sadd.s32 $0x1FA00, s0;
	[dreg:$0xd] =	wrdreg s22  }
0xd: {  	s2 =	sand.u32 $0x1, s2;
	s24 =	sadd.s32 $0x22B00, s0;
	[dreg:$0xe] =	wrdreg s23  }
0xe: {  	s4 =	sshll.u32 s4, $0xA;
	s25 =	sadd.s32 $0x25C00, s0;
	[dreg:$0xf] =	wrdreg s24  }
0xf: {  	s26 =	sadd.s32 $0x28D00, s0;
	s29 =	sadd.s32 $0x2BE00, s0;
	[dreg:$0x10] =	wrdreg s25  }
0x10: {  	s5 =	sshll.u32 s2, $0x9;
	s2 =	ssub.s32 $0x2, s2;
	[dreg:$0x11] =	wrdreg s26  }
0x11: {  	[dreg:$0x12] =	wrdreg s29;
	s25 =	simm.s32 $0x200;
	s14 =	simm.s32 $0x4000  }
0x12: {  	s16 =	simm.s32 $0x1;
	s18 =	simm.s32 $0x3800;
	s19 =	simm.s32 $0x3A00  }
0x13: {  	s20 =	simm.s32 $0x3C00;
	s26 =	simm.s32 $0x3E00;
	s21 =	simm.s32 $0x4200  }
0x14: {  	s5 =	sor.u32 s5, s4;
	s4 =	sadd.s32 $0x1000, s0;
	s7 =	sshrl.u32 s2, $0x1  }
0x15: {  	s6 =	sor.u32 $0x340000, s5;
	s2 =	ssub.s32 s2, s7;
	s13 =	sshrl.u32 s5, $0x3  }
0x16: {  	s31 =	sor.u32 $0x4000, s5;
	s5 =	simm.s32 $0x1200;
	s6 =	sshrl.u32 s6, $0x3  }
.Ltmp0:
0x17: {  	s7 =	sadd.s32 s1, s13;
	[dreg:$0x15] =	wrdreg s31;
	(pc) =	sbr.rel .LBB2_1-.Ltmp0, $4  }
0x18: {  	s2 =	smax.u32 s2, $0x1;
	s13 =	simm.s32 $0x2200;
	[dreg:$0x3] =	wrdreg s7  }
0x19: {  	s6 =	sadd.s32 s6, s0;
	[dreg:$0x4] =	wrdreg s2;
	s0 =	sadd.s32 $0x2EF00, s0  }
0x1a: {  	s2 =	simm.s32 $0x1000;
	[dreg:$0x13] =	wrdreg s0;
	s30 =	sadd.s32 $0x4FB000, s6  }
0x1b: {  	s7 =	simm.s32 $0x1600;
	s6 =	simm.s32 $0x1400;
	[dreg:$0x14] =	wrdreg s30  }
.LBB2_10:
0x1c: {  	s15 =	simm.s32 $0x4  }
0x1d: {  	_ =	swait.ge [sflag:s15], $0x2000  }
0x1e: {  	[sflag:s15] =	ssyncset.done $0x0  }
0x1f: {  	[sflag:s15] =	ssyncadd.s32 $0xFFFFE000  }
0x20: {  	_ =	swait.ge [sflag:s15], $0x2000  }
0x21: {  	s28 =	sadd.s32 $0x1, s28;
	s0 =	rddreg [dreg:$0x4]  }
0x22: {  	p0 =	sne.s32 s28, s0  }
.Ltmp1:
0x23: {  	_ = 	snop;
	(pc) =	sbr.rel @!p0 .LBB2_11-.Ltmp1, $3  }
0x24: {  	_ =	sdelay $0x1  }
0x25: {  	[sflag:s15] =	ssyncset.done $0x0  }
0x26: {  	[sflag:s15] =	ssyncadd.s32 $0xFFFFE000  }
.LBB2_1:
0x27: {  	s0 =	rddreg [dreg:$0x3];
	s23 =	simm.s32 $0x5  }
0x28: {  	[tilespmem:s3], [sflag:$0x5] =	stream.linear.gather [hbm4b:s0+s3], $0x200, $0x38;
	[tilespmem:$0x4400] =	vst v63  }
0x29: {  	_ =	swait.ge [sflag:s23], $0x200  }
0x2a: {  	[sflag:s23] =	ssyncset.done $0x0  }
0x2b: {  	s24 =	simm.s32 $0x400;
	s31 =	rddreg [dreg:$0x5];
	[sflag:s23] =	ssyncadd.s32 $0xFFFFFE00  }
0x2c: {  	[tilespmem:s24], [sflag:$0x2] =	stream.indirect.gather [hbm4b:s4+s25], $0x1, s3, s25, $0xb8;
	[tilespmem:$0x4400] =	vst v63  }
0x2d: {  	s15 =	simm.s32 $0x600;
	s22 =	rddreg [dreg:$0x7]  }
0x2e: {  	[tilespmem:s15], [sflag:$0x2] =	stream.indirect.gather [hbm4b:s31+s25], $0x1, s3, s25, $0xb8;
	[tilespmem:$0x4400] =	vst v63  }
0x2f: {  	s17 =	simm.s32 $0x800;
	s15 =	rddreg [dreg:$0x6]  }
0x30: {  	[tilespmem:s17], [sflag:$0x2] =	stream.indirect.gather [hbm4b:s15+s25], $0x1, s3, s25, $0xb8;
	[tilespmem:$0x4400] =	vst v63  }
0x31: {  	s23 =	simm.s32 $0xA00;
	s24 =	rddreg [dreg:$0x8]  }
0x32: {  	[tilespmem:s23], [sflag:$0x2] =	stream.indirect.gather [hbm4b:s22+s25], $0x1, s3, s25, $0xb8;
	[tilespmem:$0x4400] =	vst v63  }
0x33: {  	s31 =	simm.s32 $0xC00;
	s15 =	rddreg [dreg:$0x9]  }
0x34: {  	[tilespmem:s31], [sflag:$0x2] =	stream.indirect.gather [hbm4b:s24+s25], $0x1, s3, s25, $0xb8;
	[tilespmem:$0x4400] =	vst v63  }
0x35: {  	s17 =	simm.s32 $0xE00;
	s22 =	rddreg [dreg:$0xa]  }
0x36: {  	[tilespmem:s17], [sflag:$0x2] =	stream.indirect.gather [hbm4b:s15+s25], $0x1, s3, s25, $0xb8;
	[tilespmem:$0x4400] =	vst v63  }
0x37: {  	s23 =	rddreg [dreg:$0xb]  }
0x38: {  	[tilespmem:s2], [sflag:$0x2] =	stream.indirect.gather [hbm4b:s22+s25], $0x1, s3, s25, $0xb8;
	[tilespmem:$0x4400] =	vst v63  }
0x39: {  	s24 =	rddreg [dreg:$0xc]  }
0x3a: {  	[tilespmem:s5], [sflag:$0x2] =	stream.indirect.gather [hbm4b:s23+s25], $0x1, s3, s25, $0xb8;
	[tilespmem:$0x4400] =	vst v63  }
0x3b: {  	s31 =	rddreg [dreg:$0xd]  }
0x3c: {  	[tilespmem:s6], [sflag:$0x2] =	stream.indirect.gather [hbm4b:s24+s25], $0x1, s3, s25, $0xb8;
	[tilespmem:$0x4400] =	vst v63  }
0x3d: {  	s15 =	rddreg [dreg:$0xe]  }
0x3e: {  	[tilespmem:s7], [sflag:$0x2] =	stream.indirect.gather [hbm4b:s31+s25], $0x1, s3, s25, $0xb8;
	[tilespmem:$0x4400] =	vst v63  }
0x3f: {  	s17 =	rddreg [dreg:$0xf]  }
0x40: {  	[tilespmem:s8], [sflag:$0x2] =	stream.indirect.gather [hbm4b:s15+s25], $0x1, s3, s25, $0xb8;
	[tilespmem:$0x4400] =	vst v63  }
0x41: {  	s22 =	rddreg [dreg:$0x10]  }
0x42: {  	[tilespmem:s9], [sflag:$0x2] =	stream.indirect.gather [hbm4b:s17+s25], $0x1, s3, s25, $0xb8;
	[tilespmem:$0x4400] =	vst v63  }
0x43: {  	s23 =	rddreg [dreg:$0x11]  }
0x44: {  	[tilespmem:s10], [sflag:$0x2] =	stream.indirect.gather [hbm4b:s22+s25], $0x1, s3, s25, $0xb8;
	[tilespmem:$0x4400] =	vst v63  }
0x45: {  	s24 =	rddreg [dreg:$0x12]  }
0x46: {  	[tilespmem:s11], [sflag:$0x2] =	stream.indirect.gather [hbm4b:s23+s25], $0x1, s3, s25, $0xb8;
	[tilespmem:$0x4400] =	vst v63  }
.Ltmp2:
0x47: {  	s31 =	rddreg [dreg:$0x13];
	(pc) =	sbr.rel .LBB2_2-.Ltmp2, $4  }
0x48: {  	s22 =	rddreg [dreg:$0x15]  }
0x49: {  	[tilespmem:s12], [sflag:$0x2] =	stream.indirect.gather [hbm4b:s24+s25], $0x1, s3, s25, $0xb8;
	[tilespmem:$0x4400] =	vst v63  }
0x4a: {  	s29 =	simm.s32 $0x0;
	s30 =	simm.s32 $0x0;
	s23 =	rddreg [dreg:$0x14]  }
0x4b: {  	[tilespmem:s13], [sflag:$0x2] =	stream.indirect.gather [hbm4b:s31+s25], $0x1, s3, s25, $0xb8;
	[tilespmem:$0x4400] =	vst v63  }
.LBB2_8:
0x4c: {  	s24 =	simm.s32 $0x2400;
	s0 =	simm.s32 $0x3  }
.LBB2_9:
0x4d: {  	s29 =	sadd.s32 $0x31000, s29  }
0x4e: {  	p0 =	sne.s32 s29, $0x4FA000  }
.Ltmp3:
0x4f: {  	_ =	swait.ge [sflag:s0], $0x2000;
	(pc) =	sbr.rel @!p0 .LBB2_10-.Ltmp3, $4  }
0x50: {  	[sflag:s0] =	ssyncset.done $0x0  }
0x51: {  	[sflag:s0] =	ssyncadd.s32 $0xFFFFE000  }
0x52: {  	[hbm4b:s23+s25] =	stream.strided.scatter [tilespmem:s24], [sflag:$0x4], $0x2000, s14, s25, $0x38;
	[tilespmem:$0x4400] =	vst v63  }
0x53: {  	s22 =	sadd.s32 $0x4000, s22;
	s30 =	sadd.s32 $0x1, s30;
	s23 =	sadd.s32 $0x8000, s23  }
.LBB2_2:
0x54: {  	p0 =	seq.s32 s29, $0x4C9000  }
.Ltmp4:
0x55: {  	_ = 	snop;
	(pc) =	sbr.rel @p0 .LBB2_8-.Ltmp4, $1  }
0x56: {  	_ =	sdelay $0x3  }
0x57: {  	s24 =	sand.u32 $0x1, s30  }
0x58: {  	s15 =	sshrl.u32 s22, $0x3;
	p0 =	seq.s32 s29, $0x0;
	s0 =	sshll.u32 s24, $0x9  }
0x59: {  	s15 =	sadd.s32 s1, s15;
	p1 =	seq.s32 @!p0 s24, $0x0;
	s0 =	sxor.u32 $0x200, s0  }
0x5a: {  	[tilespmem:s0], [sflag:$0x1] =	stream.linear.gather [hbm4b:s15+s3], $0x200, $0x38;
	[tilespmem:$0x4400] =	vst v63  }
0x5b: {  	p1 =	por p0, p1;
	_ =	swait.ge [sflag:s16], $0x200  }
.Ltmp5:
0x5c: {  	[sflag:s16] =	ssyncset.done $0x0;
	(pc) =	sbr.rel @!p1 .LBB2_4-.Ltmp5, $4  }
0x5d: {  	s0 =	simm.s32 @!p0 $0x4;
	[sflag:s16] =	ssyncadd.s32 $0xFFFFFE00  }
0x5e: {  	_ =	swait.ge @!p0 [sflag:s0], $0x2000  }
0x5f: {  	s31 =	sadd.s32 s29, s4;
	[sflag:s0] =	ssyncset.done @!p0 $0x0  }
0x60: {  	s15 =	sadd.s32 $0x34100, s31;
	[sflag:s0] =	ssyncadd.s32 @!p0 $0xFFFFE000;
	s0 =	sadd.s32 $0x31000, s31  }
0x61: {  	s17 =	simm.s32 $0x2400  }
0x62: {  	[tilespmem:s17], [sflag:$0x3] =	stream.indirect.gather [hbm4b:s0+s25], $0x1, s25, s25, $0xb8;
	[tilespmem:$0x4400] =	vst v63  }
0x63: {  	s17 =	simm.s32 $0x2600  }
0x64: {  	[tilespmem:s17], [sflag:$0x3] =	stream.indirect.gather [hbm4b:s15+s25], $0x1, s25, s25, $0xb8;
	[tilespmem:$0x4400] =	vst v63  }
0x65: {  	s15 =	sadd.s32 $0x37200, s31;
	s17 =	simm.s32 $0x2800  }
0x66: {  	[tilespmem:s17], [sflag:$0x3] =	stream.indirect.gather [hbm4b:s15+s25], $0x1, s25, s25, $0xb8;
	[tilespmem:$0x4400] =	vst v63  }
0x67: {  	s15 =	sadd.s32 $0x3A300, s31;
	s17 =	simm.s32 $0x2A00  }
0x68: {  	[tilespmem:s17], [sflag:$0x3] =	stream.indirect.gather [hbm4b:s15+s25], $0x1, s25, s25, $0xb8;
	[tilespmem:$0x4400] =	vst v63  }
0x69: {  	s15 =	sadd.s32 $0x3D400, s31;
	s17 =	simm.s32 $0x2C00  }
0x6a: {  	[tilespmem:s17], [sflag:$0x3] =	stream.indirect.gather [hbm4b:s15+s25], $0x1, s25, s25, $0xb8;
	[tilespmem:$0x4400] =	vst v63  }
0x6b: {  	s15 =	sadd.s32 $0x40500, s31;
	s17 =	simm.s32 $0x2E00  }
0x6c: {  	[tilespmem:s17], [sflag:$0x3] =	stream.indirect.gather [hbm4b:s15+s25], $0x1, s25, s25, $0xb8;
	[tilespmem:$0x4400] =	vst v63  }
0x6d: {  	s15 =	sadd.s32 $0x43600, s31;
	s17 =	simm.s32 $0x3000  }
0x6e: {  	[tilespmem:s17], [sflag:$0x3] =	stream.indirect.gather [hbm4b:s15+s25], $0x1, s25, s25, $0xb8;
	[tilespmem:$0x4400] =	vst v63  }
0x6f: {  	s15 =	sadd.s32 $0x46700, s31;
	s17 =	simm.s32 $0x3200  }
0x70: {  	[tilespmem:s17], [sflag:$0x3] =	stream.indirect.gather [hbm4b:s15+s25], $0x1, s25, s25, $0xb8;
	[tilespmem:$0x4400] =	vst v63  }
0x71: {  	s15 =	sadd.s32 $0x49800, s31;
	s17 =	simm.s32 $0x3400  }
0x72: {  	[tilespmem:s17], [sflag:$0x3] =	stream.indirect.gather [hbm4b:s15+s25], $0x1, s25, s25, $0xb8;
	[tilespmem:$0x4400] =	vst v63  }
0x73: {  	s15 =	sadd.s32 $0x4C900, s31;
	s17 =	simm.s32 $0x3600  }
0x74: {  	[tilespmem:s17], [sflag:$0x3] =	stream.indirect.gather [hbm4b:s15+s25], $0x1, s25, s25, $0xb8;
	[tilespmem:$0x4400] =	vst v63  }
0x75: {  	s17 =	sadd.s32 $0x4FA00, s31  }
0x76: {  	[tilespmem:s18], [sflag:$0x3] =	stream.indirect.gather [hbm4b:s17+s25], $0x1, s25, s25, $0xb8;
	[tilespmem:$0x4400] =	vst v63  }
0x77: {  	s15 =	sadd.s32 $0x52B00, s31  }
0x78: {  	[tilespmem:s19], [sflag:$0x3] =	stream.indirect.gather [hbm4b:s15+s25], $0x1, s25, s25, $0xb8;
	[tilespmem:$0x4400] =	vst v63  }
0x79: {  	s17 =	sadd.s32 $0x55C00, s31  }
0x7a: {  	[tilespmem:s20], [sflag:$0x3] =	stream.indirect.gather [hbm4b:s17+s25], $0x1, s25, s25, $0xb8;
	[tilespmem:$0x4400] =	vst v63  }
0x7b: {  	s15 =	sadd.s32 $0x58D00, s31  }
0x7c: {  	[tilespmem:s26], [sflag:$0x3] =	stream.indirect.gather [hbm4b:s15+s25], $0x1, s25, s25, $0xb8;
	[tilespmem:$0x4400] =	vst v63  }
.Ltmp6:
0x7d: {  	_ = 	snop;
	(pc) =	sbr.rel .LBB2_6-.Ltmp6, $4  }
0x7e: {  	s17 =	sadd.s32 $0x5BE00, s31  }
0x7f: {  	[tilespmem:s14], [sflag:$0x3] =	stream.indirect.gather [hbm4b:s17+s25], $0x1, s25, s25, $0xb8;
	[tilespmem:$0x4400] =	vst v63  }
0x80: {  	s31 =	sadd.s32 $0x5EF00, s31  }
0x81: {  	[tilespmem:s21], [sflag:$0x3] =	stream.indirect.gather [hbm4b:s31+s25], $0x1, s25, s25, $0xb8;
	[tilespmem:$0x4400] =	vst v63  }
.LBB2_4:
0x82: {  	s17 =	simm.s32 $0x400  }
0x83: {  	[tilespmem:s17], [sflag:$0x2] =	stream.indirect.gather [hbm4b:s0+s25], $0x1, s3, s25, $0xb8;
	[tilespmem:$0x4400] =	vst v63  }
0x84: {  	s17 =	simm.s32 $0x600  }
0x85: {  	[tilespmem:s17], [sflag:$0x2] =	stream.indirect.gather [hbm4b:s15+s25], $0x1, s3, s25, $0xb8;
	[tilespmem:$0x4400] =	vst v63  }
0x86: {  	s15 =	sadd.s32 $0x37200, s31;
	s17 =	simm.s32 $0x800  }
0x87: {  	[tilespmem:s17], [sflag:$0x2] =	stream.indirect.gather [hbm4b:s15+s25], $0x1, s3, s25, $0xb8;
	[tilespmem:$0x4400] =	vst v63  }
0x88: {  	s15 =	sadd.s32 $0x3A300, s31;
	s17 =	simm.s32 $0xA00  }
0x89: {  	[tilespmem:s17], [sflag:$0x2] =	stream.indirect.gather [hbm4b:s15+s25], $0x1, s3, s25, $0xb8;
	[tilespmem:$0x4400] =	vst v63  }
0x8a: {  	s15 =	sadd.s32 $0x3D400, s31;
	s17 =	simm.s32 $0xC00  }
0x8b: {  	[tilespmem:s17], [sflag:$0x2] =	stream.indirect.gather [hbm4b:s15+s25], $0x1, s3, s25, $0xb8;
	[tilespmem:$0x4400] =	vst v63  }
0x8c: {  	s15 =	sadd.s32 $0x40500, s31;
	s17 =	simm.s32 $0xE00  }
0x8d: {  	[tilespmem:s17], [sflag:$0x2] =	stream.indirect.gather [hbm4b:s15+s25], $0x1, s3, s25, $0xb8;
	[tilespmem:$0x4400] =	vst v63  }
0x8e: {  	s17 =	sadd.s32 $0x43600, s31  }
0x8f: {  	[tilespmem:s2], [sflag:$0x2] =	stream.indirect.gather [hbm4b:s17+s25], $0x1, s3, s25, $0xb8;
	[tilespmem:$0x4400] =	vst v63  }
0x90: {  	s15 =	sadd.s32 $0x46700, s31  }
0x91: {  	[tilespmem:s5], [sflag:$0x2] =	stream.indirect.gather [hbm4b:s15+s25], $0x1, s3, s25, $0xb8;
	[tilespmem:$0x4400] =	vst v63  }
0x92: {  	s17 =	sadd.s32 $0x49800, s31  }
0x93: {  	[tilespmem:s6], [sflag:$0x2] =	stream.indirect.gather [hbm4b:s17+s25], $0x1, s3, s25, $0xb8;
	[tilespmem:$0x4400] =	vst v63  }
0x94: {  	s15 =	sadd.s32 $0x4C900, s31  }
0x95: {  	[tilespmem:s7], [sflag:$0x2] =	stream.indirect.gather [hbm4b:s15+s25], $0x1, s3, s25, $0xb8;
	[tilespmem:$0x4400] =	vst v63  }
0x96: {  	s17 =	sadd.s32 $0x4FA00, s31  }
0x97: {  	[tilespmem:s8], [sflag:$0x2] =	stream.indirect.gather [hbm4b:s17+s25], $0x1, s3, s25, $0xb8;
	[tilespmem:$0x4400] =	vst v63  }
0x98: {  	s15 =	sadd.s32 $0x52B00, s31  }
0x99: {  	[tilespmem:s9], [sflag:$0x2] =	stream.indirect.gather [hbm4b:s15+s25], $0x1, s3, s25, $0xb8;
	[tilespmem:$0x4400] =	vst v63  }
0x9a: {  	s17 =	sadd.s32 $0x55C00, s31  }
0x9b: {  	[tilespmem:s10], [sflag:$0x2] =	stream.indirect.gather [hbm4b:s17+s25], $0x1, s3, s25, $0xb8;
	[tilespmem:$0x4400] =	vst v63  }
0x9c: {  	s15 =	sadd.s32 $0x58D00, s31  }
0x9d: {  	[tilespmem:s11], [sflag:$0x2] =	stream.indirect.gather [hbm4b:s15+s25], $0x1, s3, s25, $0xb8;
	[tilespmem:$0x4400] =	vst v63  }
0x9e: {  	s17 =	sadd.s32 $0x5BE00, s31  }
0x9f: {  	[tilespmem:s12], [sflag:$0x2] =	stream.indirect.gather [hbm4b:s17+s25], $0x1, s3, s25, $0xb8;
	[tilespmem:$0x4400] =	vst v63  }
0xa0: {  	s31 =	sadd.s32 $0x5EF00, s31  }
0xa1: {  	[tilespmem:s13], [sflag:$0x2] =	stream.indirect.gather [hbm4b:s31+s25], $0x1, s3, s25, $0xb8;
	[tilespmem:$0x4400] =	vst v63  }
.LBB2_6:
0xa2: {  	p0 =	seq.s32 s24, $0x0  }
.Ltmp7:
0xa3: {  	_ = 	snop;
	(pc) =	sbr.rel @!p0 .LBB2_8-.Ltmp7, $1  }
0xa4: {  	_ =	sdelay $0x3  }
.Ltmp8:
0xa5: {  	(pc) =	sbr.rel .LBB2_9-.Ltmp8, $2  }
0xa6: {  	_ =	sdelay $0x2  }
0xa7: {  	s24 =	simm.s32 $0x400;
	s0 =	simm.s32 $0x2  }
.LBB2_11:
0xa8: {  	_ =	sfence.sel $0x180000  }
0xa9: {  	[bflag:$0x0] =	sbarrier.arrive $0xFFFF  }
0xaa: {  	_ =	strace $0x90000047  }
0xab: {  	s0 =	stileid.u32;
	[bflag:$0x2] =	sbarrier.arrive $0xFFFF  }
0xac: {  	p0 =	sne.s32 s0, $0x0;
	s0 =	rddreg [dreg:$0x2]  }
0xad: {  	s0 =	sadd.s32 @!p0 $0x100000, s0  }
0xae: {  	[sflag:s0] =	ssyncadd.tile.s32 @!p0 $0x1;
	_ =	shalt  }
.Lfunc_end2:
_tile_overlayer_lowered:
.L_overlay_start_2:
0xaf: {  	(tag) =	ssettag $0x2  }
0xb0: {  	s0 =	rddreg [dreg:$0x0];
	s2 =	stileid.u32  }
0xb1: {  	s1 =	rddreg [dreg:$0x1];
	p0 =	sne.s32 s2, $0x0  }
0xb2: {  	s3 =	rddreg [dreg:$0x2];
	[bflag:$0x3] =	sbarrier.arrive $0xFFFF;
	s2 =	simm.s32 @!p0 $0x1C05  }
0xb3: {  	[timem:s3], [sflag:s2] =	dma.local @!p0 [hbm:s0], s1  }
0xb4: {  	s0 =	simm.s32 @!p0 $0x5  }
0xb5: {  	_ =	swait.ge @!p0 [sflag:s0], s1  }
0xb6: {  	s1 =	ssub.s32 @!p0 $0x0, s1;
	[sflag:s0] =	ssyncset.done @!p0 $0x0  }
0xb7: {  	[sflag:s0] =	ssyncadd.s32 @!p0 s1  }
0xb8: {  	[bflag:$0x3] =	sbarrier.arrive $0xFFFF  }
0xb9: {  	_ =	shalt  }

</sc_bundles>
